<compile_context>
chip_gen: v7x
topology: tpu7x:2x2x1
jax: 0.10.2.dev20260603
libtpu: 0.0.44.dev20260713+nightly
codegen_flags: <defaults>
</compile_context>

<pallas_src>
import functools

import jax
import jax.numpy as jnp
from jax import lax
from jax.experimental import pallas as pl
from jax.experimental.pallas import tpu as pltpu
from jax.experimental.pallas import tpu_sc as plsc

VOCAB = 100000
EMBED = 64
BATCH = 1024
CTX = 20

NUM_CORES = 2
NUM_SUBCORES = 16
LANES = 16
NW = NUM_CORES * NUM_SUBCORES
B_PER_W = BATCH // NW
IDX_PER_W = B_PER_W * CTX


def _make_gather_mean():
    mesh = plsc.VectorSubcoreMesh(core_axis_name="c", subcore_axis_name="s")

    @functools.partial(
        pl.kernel,
        mesh=mesh,
        out_type=jax.ShapeDtypeStruct((BATCH, EMBED), jnp.float32),
        compiler_params=pltpu.CompilerParams(use_tc_tiling_on_sc=False),
        scratch_types=[
            pltpu.VMEM((IDX_PER_W,), jnp.int32),
            pltpu.VMEM((IDX_PER_W, EMBED), jnp.float32),
            pltpu.VMEM((B_PER_W, EMBED), jnp.float32),
            pltpu.SemaphoreType.DMA,
        ],
    )
    def gather_mean(idx_hbm, table_hbm, out_hbm, idx_v, rows_v, pooled_v, sem):
        wid = lax.axis_index("s") * NUM_CORES + lax.axis_index("c")
        base = wid * IDX_PER_W
        pltpu.sync_copy(idx_hbm.at[pl.ds(base, IDX_PER_W)], idx_v)
        pltpu.async_copy(table_hbm.at[idx_v], rows_v, sem).wait()

        inv = jnp.float32(1.0 / CTX)

        def row_body(r, carry):
            for c in range(EMBED // LANES):
                acc = rows_v[r * CTX, pl.ds(c * LANES, LANES)]
                for t in range(1, CTX):
                    acc = acc + rows_v[r * CTX + t, pl.ds(c * LANES, LANES)]
                pooled_v[r, pl.ds(c * LANES, LANES)] = acc * inv
            return carry

        lax.fori_loop(0, B_PER_W, row_body, 0)
        pltpu.sync_copy(pooled_v, out_hbm.at[pl.ds(wid * B_PER_W, B_PER_W)])

    return gather_mean


_gather_mean_cache = []


def _gather_mean(idx_flat, emb_table):
    if not _gather_mean_cache:
        _gather_mean_cache.append(_make_gather_mean())
    return _gather_mean_cache[0](idx_flat, emb_table)


TILE_N = 4096
N_FULL = VOCAB // TILE_N
REM = VOCAB - N_FULL * TILE_N
REM_ALN = (REM // 128) * 128
REM_EDGE = REM - REM_ALN
N_PAD = (N_FULL + 1) * TILE_N
NWBUF = 4
NOBUF = 3


def _mm_manual(
    x_hbm, w_hbm, b_hbm, o_hbm, xv, bv, wv, ov, wrem, orem, in_sem, w_sem, o_sem
):
    cx = pltpu.make_async_copy(x_hbm, xv, in_sem)
    cb = pltpu.make_async_copy(b_hbm, bv, in_sem)
    cx.start()
    cb.start()

    def w_copy(j, slot):
        return pltpu.make_async_copy(
            w_hbm.at[:, pl.ds(j * TILE_N, TILE_N)], wv.at[slot], w_sem.at[slot]
        )

    def o_copy(j, slot):
        return pltpu.make_async_copy(
            ov.at[slot], o_hbm.at[:, pl.ds(j * TILE_N, TILE_N)], o_sem.at[slot]
        )

    w_copy(0, 0).start()
    w_copy(1, 1).start()
    cx.wait()
    cb.wait()

    def body(j, carry):
        wslot = lax.rem(j, NWBUF)
        oslot = lax.rem(j, NOBUF)

        @pl.when(j + 2 < N_FULL)
        def _():
            w_copy(j + 2, lax.rem(j + 2, NWBUF)).start()

        w_copy(j, wslot).wait()

        @pl.when(j >= NOBUF)
        def _():
            o_copy(j - NOBUF, oslot).wait()

        x16 = xv[...].astype(jnp.bfloat16)
        w16 = wv[wslot].astype(jnp.bfloat16)
        acc = jnp.dot(x16, w16, preferred_element_type=jnp.float32)
        ov[oslot] = acc + bv[pl.ds(j * TILE_N, TILE_N)].reshape(1, TILE_N)
        o_copy(j, oslot).start()
        return carry

    lax.fori_loop(0, N_FULL, body, 0)

    tslot = N_FULL % NOBUF
    o_copy(N_FULL - NOBUF, tslot).wait()
    base = N_FULL * TILE_N
    tw = pltpu.make_async_copy(
        w_hbm.at[:, pl.ds(base, REM_ALN)],
        wv.at[0, :, pl.ds(0, REM_ALN)],
        w_sem.at[0],
    )
    te = pltpu.make_async_copy(
        w_hbm.at[:, pl.ds(base + REM_ALN, REM_EDGE)], wrem, w_sem.at[1]
    )
    tw.start()
    te.start()
    tw.wait()
    te.wait()
    x16 = xv[...].astype(jnp.bfloat16)
    w16 = wv[0].astype(jnp.bfloat16)
    acc = jnp.dot(x16, w16, preferred_element_type=jnp.float32)
    ov[tslot] = acc + bv[pl.ds(base, TILE_N)].reshape(1, TILE_N)
    tail_out = pltpu.make_async_copy(
        ov.at[tslot, :, pl.ds(0, REM_ALN)],
        o_hbm.at[:, pl.ds(base, REM_ALN)],
        o_sem.at[tslot],
    )
    tail_out.start()
    we16 = wrem[...].astype(jnp.bfloat16)
    acc_e = jnp.dot(x16, we16, preferred_element_type=jnp.float32)
    b_e = bv[pl.ds(base + REM_ALN, 128)][:REM_EDGE]
    orem[...] = acc_e + b_e.reshape(1, REM_EDGE)
    edge_out = pltpu.make_async_copy(
        orem, o_hbm.at[:, pl.ds(base + REM_ALN, REM_EDGE)], o_sem.at[(tslot + 1) % NOBUF]
    )
    edge_out.start()

    for d in range(1, NOBUF):
        j_last = N_FULL - NOBUF + d
        o_copy(j_last, j_last % NOBUF).wait()
    tail_out.wait()
    edge_out.wait()


def _project(ctx_emb, W, b):
    return pl.pallas_call(
        _mm_manual,
        in_specs=[
            pl.BlockSpec(memory_space=pl.ANY),
            pl.BlockSpec(memory_space=pl.ANY),
            pl.BlockSpec(memory_space=pl.ANY),
        ],
        out_specs=pl.BlockSpec(memory_space=pl.ANY),
        out_shape=jax.ShapeDtypeStruct((BATCH, VOCAB), jnp.float32),
        scratch_shapes=[
            pltpu.VMEM((BATCH, EMBED), jnp.float32),
            pltpu.VMEM((N_PAD,), jnp.float32),
            pltpu.VMEM((NWBUF, EMBED, TILE_N), jnp.float32),
            pltpu.VMEM((NOBUF, BATCH, TILE_N), jnp.float32),
            pltpu.VMEM((EMBED, REM_EDGE), jnp.float32),
            pltpu.VMEM((BATCH, REM_EDGE), jnp.float32),
            pltpu.SemaphoreType.DMA,
            pltpu.SemaphoreType.DMA((NWBUF,)),
            pltpu.SemaphoreType.DMA((NOBUF,)),
        ],
        compiler_params=pltpu.CompilerParams(
            vmem_limit_bytes=100 * 1024 * 1024,
        ),
    )(ctx_emb, W, b)


def kernel(context_idxs, emb_table, W, b):
    idx_flat = context_idxs.astype(jnp.int32).reshape(BATCH * CTX)
    ctx_emb = _gather_mean(idx_flat, emb_table)
    b_pad = jnp.pad(b, (0, N_PAD - VOCAB))
    return _project(ctx_emb, W, b_pad)

# --- scband reference (transcript-rebuilt; emitter-appended) ---
"""Pipeline reference for scband-cbowmodel-37675453120924 (READ-ONLY COPY).

The authoritative reference and input builder live on the scoring server;
editing this copy changes nothing except your own understanding.
"""

import jax, jax.numpy as jnp
import numpy as np

VOCAB = 100000
EMBED = 64
BATCH = 1024
CTX = 20

def setup_inputs(seed: int = 0) -> dict:
    key = jax.random.key(seed)
    k1, k2, k3, k4 = jax.random.split(key, 4)
    context_idxs = jax.random.randint(k1, (BATCH, CTX), 0, VOCAB)
    emb_table = jax.random.normal(k2, (VOCAB, EMBED), dtype=jnp.float32) * 0.02
    W = jax.random.normal(k3, (EMBED, VOCAB), dtype=jnp.float32) * 0.02
    b = jnp.zeros((VOCAB,), dtype=jnp.float32)
    return {"context_idxs": context_idxs, "emb_table": emb_table, "W": W, "b": b}

def reference(context_idxs, emb_table, W, b):
    # nn.Embedding lookup -> gather rows
    embeds = jnp.take(emb_table, context_idxs, axis=0)  # [B, CTX, E]
    # mean over context dimension
    context_embeds = jnp.mean(embeds, axis=1)  # [B, E]
    # dropout is identity in eval mode (deterministic reference)
    logits = context_embeds @ W + b  # [B, VOCAB]
    return logits

if __name__ == "__main__":
    import jax
    _d = setup_inputs()
    print(jax.jit(kernel)(*tuple(_d.values())))

</pallas_src>

<mosaic_0001>
#map = affine_map<(d0, d1) -> (0)>
#map1 = affine_map<(d0, d1) -> (0, 0)>
module attributes {stable_mosaic.version = 14 : i64} {
  func.func @gather_mean(%arg0: i32, %arg1: i32, %arg2: memref<20480xi32, #tpu.memory_space<hbm>>, %arg3: memref<100000x64xf32, #tpu.memory_space<hbm>>, %arg4: memref<1024x64xf32, #tpu.memory_space<hbm>>, %arg5: memref<640xi32, #tpu.memory_space<vmem>>, %arg6: memref<640x64xf32, #tpu.memory_space<vmem>>, %arg7: memref<32x64xf32, #tpu.memory_space<vmem>>, %arg8: memref<!tpu.dma_semaphore, #tpu.memory_space<semaphore_mem>>) attributes {dimension_semantics = [#tpu.dimension_semantics<core_parallel>, #tpu.dimension_semantics<subcore_parallel>], iteration_bounds = array<i64: 2, 16>, scalar_prefetch = 0 : i64, scratch_operands = 4 : i64, tpu.core_type = #tpu.core_type<sc_vector_subcore>, window_params = [{transform_indices = #map}, {transform_indices = #map1}, {transform_indices = #map1}]} {
    %mul3A = arith.constant 2 : i32
    %mul3A_0 = arith.muli %arg1, %mul3A : i32
    %add3A = arith.addi %mul3A_0, %arg0 : i32
    %mul3A_1 = arith.constant 640 : i32
    %mul3A_2 = arith.muli %add3A, %mul3A_1 : i32
    "tpu.region"() ({
      %run_scoped3A = tpu.sem_alloc : memref<!tpu.dma_semaphore, #tpu.memory_space<semaphore_mem>>
      %dma_start3A_15 = tpu.memref_slice %arg2[%mul3A_2] : memref<20480xi32, #tpu.memory_space<hbm>> -> memref<640xi32, #tpu.memory_space<hbm>>
      %dma_start3A_16 = tpu.memref_slice %arg2[%mul3A_2] : memref<20480xi32, #tpu.memory_space<hbm>> -> memref<640xi32, #tpu.memory_space<hbm>>
      tpu.enqueue_dma source(%dma_start3A_16 : memref<640xi32, #tpu.memory_space<hbm>>) target(%arg5 : memref<640xi32, #tpu.memory_space<vmem>>) target_semaphore(%run_scoped3A : memref<!tpu.dma_semaphore, #tpu.memory_space<semaphore_mem>>)
      %dma_wait3A_17 = tpu.memref_slice %arg2[%mul3A_2] : memref<20480xi32, #tpu.memory_space<hbm>> -> memref<640xi32, #tpu.memory_space<hbm>>
      %dma_wait3A_18 = tpu.memref_slice %arg2[%mul3A_2] : memref<20480xi32, #tpu.memory_space<hbm>> -> memref<640xi32, #tpu.memory_space<hbm>>
      tpu.wait_dma2 semaphore(%run_scoped3A : memref<!tpu.dma_semaphore, #tpu.memory_space<semaphore_mem>>) src(%dma_wait3A_18 : memref<640xi32, #tpu.memory_space<hbm>>) dst(%arg5 : memref<640xi32, #tpu.memory_space<vmem>>)
      tpu.yield
    }) : () -> ()
    %dma_start3A = arith.constant 0 : i32
    %dma_start3A_3 = arith.constant 0 : i32
    %dma_start3A_4 = tpu.memref_slice %arg3[%dma_start3A, %dma_start3A_3] : memref<100000x64xf32, #tpu.memory_space<hbm>> -> memref<100000x64xf32, #tpu.memory_space<hbm>>
    tpu.enqueue_indirect_dma source(%dma_start3A_4 : memref<100000x64xf32, #tpu.memory_space<hbm>>) target(%arg6 : memref<640x64xf32, #tpu.memory_space<vmem>>) offsets(%arg5 : memref<640xi32, #tpu.memory_space<vmem>>) semaphore(%arg8 : memref<!tpu.dma_semaphore, #tpu.memory_space<semaphore_mem>>)
    %dma_wait3A = arith.constant 0 : i32
    %dma_wait3A_5 = arith.constant 0 : i32
    %dma_wait3A_6 = tpu.memref_slice %arg3[%dma_wait3A, %dma_wait3A_5] : memref<100000x64xf32, #tpu.memory_space<hbm>> -> memref<100000x64xf32, #tpu.memory_space<hbm>>
    tpu.wait_indirect_dma semaphore(%arg8 : memref<!tpu.dma_semaphore, #tpu.memory_space<semaphore_mem>>) src(%dma_wait3A_6 : memref<100000x64xf32, #tpu.memory_space<hbm>>) dst(%arg6 : memref<640x64xf32, #tpu.memory_space<vmem>>)
    %scan3A = arith.constant 0 : i32
    %scan3A_7 = arith.constant 5.000000e-02 : f32
    %scan3A_8 = arith.constant 0 : i32
    %scan3A_9 = arith.constant 32 : i32
    %scan3A_10 = arith.addi %scan3A_8, %scan3A_9 : i32
    %scan3A_11 = arith.constant 1 : i32
    scf.for %scan3A_15 = %scan3A_8 to %scan3A_10 step %scan3A_11  : i32 {
      %mul3A_16 = arith.constant 20 : i32
      %mul3A_17 = arith.muli %scan3A_15, %mul3A_16 : i32
      %get3A = arith.index_cast %mul3A_17 : i32 to index
      %get3A_18 = arith.constant 0 : index
      %get3A_19 = tpu.vector_load %arg6[%get3A, %get3A_18] {strides = array<i32>} : memref<640x64xf32, #tpu.memory_space<vmem>>, vector<1x16xf32>,
      %get3A_20 = vector.shape_cast %get3A_19 : vector<1x16xf32> to vector<16xf32>
      %mul3A_21 = arith.constant 20 : i32
      %mul3A_22 = arith.muli %scan3A_15, %mul3A_21 : i32
      %add3A_23 = arith.constant 1 : i32
      %add3A_24 = arith.addi %mul3A_22, %add3A_23 : i32
      %get3A_25 = arith.index_cast %add3A_24 : i32 to index
      %get3A_26 = arith.constant 0 : index
      %get3A_27 = tpu.vector_load %arg6[%get3A_25, %get3A_26] {strides = array<i32>} : memref<640x64xf32, #tpu.memory_space<vmem>>, vector<1x16xf32>,
      %get3A_28 = vector.shape_cast %get3A_27 : vector<1x16xf32> to vector<16xf32>
      %add3A_29 = arith.addf %get3A_20, %get3A_28 : vector<16xf32>
      %mul3A_30 = arith.constant 20 : i32
      %mul3A_31 = arith.muli %scan3A_15, %mul3A_30 : i32
      %add3A_32 = arith.constant 2 : i32
      %add3A_33 = arith.addi %mul3A_31, %add3A_32 : i32
      %get3A_34 = arith.index_cast %add3A_33 : i32 to index
      %get3A_35 = arith.constant 0 : index
      %get3A_36 = tpu.vector_load %arg6[%get3A_34, %get3A_35] {strides = array<i32>} : memref<640x64xf32, #tpu.memory_space<vmem>>, vector<1x16xf32>,
      %get3A_37 = vector.shape_cast %get3A_36 : vector<1x16xf32> to vector<16xf32>
      %add3A_38 = arith.addf %add3A_29, %get3A_37 : vector<16xf32>
      %mul3A_39 = arith.constant 20 : i32
      %mul3A_40 = arith.muli %scan3A_15, %mul3A_39 : i32
      %add3A_41 = arith.constant 3 : i32
      %add3A_42 = arith.addi %mul3A_40, %add3A_41 : i32
      %get3A_43 = arith.index_cast %add3A_42 : i32 to index
      %get3A_44 = arith.constant 0 : index
      %get3A_45 = tpu.vector_load %arg6[%get3A_43, %get3A_44] {strides = array<i32>} : memref<640x64xf32, #tpu.memory_space<vmem>>, vector<1x16xf32>,
      %get3A_46 = vector.shape_cast %get3A_45 : vector<1x16xf32> to vector<16xf32>
      %add3A_47 = arith.addf %add3A_38, %get3A_46 : vector<16xf32>
      %mul3A_48 = arith.constant 20 : i32
      %mul3A_49 = arith.muli %scan3A_15, %mul3A_48 : i32
      %add3A_50 = arith.constant 4 : i32
      %add3A_51 = arith.addi %mul3A_49, %add3A_50 : i32
      %get3A_52 = arith.index_cast %add3A_51 : i32 to index
      %get3A_53 = arith.constant 0 : index
      %get3A_54 = tpu.vector_load %arg6[%get3A_52, %get3A_53] {strides = array<i32>} : memref<640x64xf32, #tpu.memory_space<vmem>>, vector<1x16xf32>,
      %get3A_55 = vector.shape_cast %get3A_54 : vector<1x16xf32> to vector<16xf32>
      %add3A_56 = arith.addf %add3A_47, %get3A_55 : vector<16xf32>
      %mul3A_57 = arith.constant 20 : i32
      %mul3A_58 = arith.muli %scan3A_15, %mul3A_57 : i32
      %add3A_59 = arith.constant 5 : i32
      %add3A_60 = arith.addi %mul3A_58, %add3A_59 : i32
      %get3A_61 = arith.index_cast %add3A_60 : i32 to index
      %get3A_62 = arith.constant 0 : index
      %get3A_63 = tpu.vector_load %arg6[%get3A_61, %get3A_62] {strides = array<i32>} : memref<640x64xf32, #tpu.memory_space<vmem>>, vector<1x16xf32>,
      %get3A_64 = vector.shape_cast %get3A_63 : vector<1x16xf32> to vector<16xf32>
      %add3A_65 = arith.addf %add3A_56, %get3A_64 : vector<16xf32>
      %mul3A_66 = arith.constant 20 : i32
      %mul3A_67 = arith.muli %scan3A_15, %mul3A_66 : i32
      %add3A_68 = arith.constant 6 : i32
      %add3A_69 = arith.addi %mul3A_67, %add3A_68 : i32
      %get3A_70 = arith.index_cast %add3A_69 : i32 to index
      %get3A_71 = arith.constant 0 : index
      %get3A_72 = tpu.vector_load %arg6[%get3A_70, %get3A_71] {strides = array<i32>} : memref<640x64xf32, #tpu.memory_space<vmem>>, vector<1x16xf32>,
      %get3A_73 = vector.shape_cast %get3A_72 : vector<1x16xf32> to vector<16xf32>
      %add3A_74 = arith.addf %add3A_65, %get3A_73 : vector<16xf32>
      %mul3A_75 = arith.constant 20 : i32
      %mul3A_76 = arith.muli %scan3A_15, %mul3A_75 : i32
      %add3A_77 = arith.constant 7 : i32
      %add3A_78 = arith.addi %mul3A_76, %add3A_77 : i32
      %get3A_79 = arith.index_cast %add3A_78 : i32 to index
      %get3A_80 = arith.constant 0 : index
      %get3A_81 = tpu.vector_load %arg6[%get3A_79, %get3A_80] {strides = array<i32>} : memref<640x64xf32, #tpu.memory_space<vmem>>, vector<1x16xf32>,
      %get3A_82 = vector.shape_cast %get3A_81 : vector<1x16xf32> to vector<16xf32>
      %add3A_83 = arith.addf %add3A_74, %get3A_82 : vector<16xf32>
      %mul3A_84 = arith.constant 20 : i32
      %mul3A_85 = arith.muli %scan3A_15, %mul3A_84 : i32
      %add3A_86 = arith.constant 8 : i32
      %add3A_87 = arith.addi %mul3A_85, %add3A_86 : i32
      %get3A_88 = arith.index_cast %add3A_87 : i32 to index
      %get3A_89 = arith.constant 0 : index
      %get3A_90 = tpu.vector_load %arg6[%get3A_88, %get3A_89] {strides = array<i32>} : memref<640x64xf32, #tpu.memory_space<vmem>>, vector<1x16xf32>,
      %get3A_91 = vector.shape_cast %get3A_90 : vector<1x16xf32> to vector<16xf32>
      %add3A_92 = arith.addf %add3A_83, %get3A_91 : vector<16xf32>
      %mul3A_93 = arith.constant 20 : i32
      %mul3A_94 = arith.muli %scan3A_15, %mul3A_93 : i32
      %add3A_95 = arith.constant 9 : i32
      %add3A_96 = arith.addi %mul3A_94, %add3A_95 : i32
      %get3A_97 = arith.index_cast %add3A_96 : i32 to index
      %get3A_98 = arith.constant 0 : index
      %get3A_99 = tpu.vector_load %arg6[%get3A_97, %get3A_98] {strides = array<i32>} : memref<640x64xf32, #tpu.memory_space<vmem>>, vector<1x16xf32>,
      %get3A_100 = vector.shape_cast %get3A_99 : vector<1x16xf32> to vector<16xf32>
      %add3A_101 = arith.addf %add3A_92, %get3A_100 : vector<16xf32>
      %mul3A_102 = arith.constant 20 : i32
      %mul3A_103 = arith.muli %scan3A_15, %mul3A_102 : i32
      %add3A_104 = arith.constant 10 : i32
      %add3A_105 = arith.addi %mul3A_103, %add3A_104 : i32
      %get3A_106 = arith.index_cast %add3A_105 : i32 to index
      %get3A_107 = arith.constant 0 : index
      %get3A_108 = tpu.vector_load %arg6[%get3A_106, %get3A_107] {strides = array<i32>} : memref<640x64xf32, #tpu.memory_space<vmem>>, vector<1x16xf32>,
      %get3A_109 = vector.shape_cast %get3A_108 : vector<1x16xf32> to vector<16xf32>
      %add3A_110 = arith.addf %add3A_101, %get3A_109 : vector<16xf32>
      %mul3A_111 = arith.constant 20 : i32
      %mul3A_112 = arith.muli %scan3A_15, %mul3A_111 : i32
      %add3A_113 = arith.constant 11 : i32
      %add3A_114 = arith.addi %mul3A_112, %add3A_113 : i32
      %get3A_115 = arith.index_cast %add3A_114 : i32 to index
      %get3A_116 = arith.constant 0 : index
      %get3A_117 = tpu.vector_load %arg6[%get3A_115, %get3A_116] {strides = array<i32>} : memref<640x64xf32, #tpu.memory_space<vmem>>, vector<1x16xf32>,
      %get3A_118 = vector.shape_cast %get3A_117 : vector<1x16xf32> to vector<16xf32>
      %add3A_119 = arith.addf %add3A_110, %get3A_118 : vector<16xf32>
      %mul3A_120 = arith.constant 20 : i32
      %mul3A_121 = arith.muli %scan3A_15, %mul3A_120 : i32
      %add3A_122 = arith.constant 12 : i32
      %add3A_123 = arith.addi %mul3A_121, %add3A_122 : i32
      %get3A_124 = arith.index_cast %add3A_123 : i32 to index
      %get3A_125 = arith.constant 0 : index
      %get3A_126 = tpu.vector_load %arg6[%get3A_124, %get3A_125] {strides = array<i32>} : memref<640x64xf32, #tpu.memory_space<vmem>>, vector<1x16xf32>,
      %get3A_127 = vector.shape_cast %get3A_126 : vector<1x16xf32> to vector<16xf32>
      %add3A_128 = arith.addf %add3A_119, %get3A_127 : vector<16xf32>
      %mul3A_129 = arith.constant 20 : i32
      %mul3A_130 = arith.muli %scan3A_15, %mul3A_129 : i32
      %add3A_131 = arith.constant 13 : i32
      %add3A_132 = arith.addi %mul3A_130, %add3A_131 : i32
      %get3A_133 = arith.index_cast %add3A_132 : i32 to index
      %get3A_134 = arith.constant 0 : index
      %get3A_135 = tpu.vector_load %arg6[%get3A_133, %get3A_134] {strides = array<i32>} : memref<640x64xf32, #tpu.memory_space<vmem>>, vector<1x16xf32>,
      %get3A_136 = vector.shape_cast %get3A_135 : vector<1x16xf32> to vector<16xf32>
      %add3A_137 = arith.addf %add3A_128, %get3A_136 : vector<16xf32>
      %mul3A_138 = arith.constant 20 : i32
      %mul3A_139 = arith.muli %scan3A_15, %mul3A_138 : i32
      %add3A_140 = arith.constant 14 : i32
      %add3A_141 = arith.addi %mul3A_139, %add3A_140 : i32
      %get3A_142 = arith.index_cast %add3A_141 : i32 to index
      %get3A_143 = arith.constant 0 : index
      %get3A_144 = tpu.vector_load %arg6[%get3A_142, %get3A_143] {strides = array<i32>} : memref<640x64xf32, #tpu.memory_space<vmem>>, vector<1x16xf32>,
      %get3A_145 = vector.shape_cast %get3A_144 : vector<1x16xf32> to vector<16xf32>
      %add3A_146 = arith.addf %add3A_137, %get3A_145 : vector<16xf32>
      %mul3A_147 = arith.constant 20 : i32
      %mul3A_148 = arith.muli %scan3A_15, %mul3A_147 : i32
      %add3A_149 = arith.constant 15 : i32
      %add3A_150 = arith.addi %mul3A_148, %add3A_149 : i32
      %get3A_151 = arith.index_cast %add3A_150 : i32 to index
      %get3A_152 = arith.constant 0 : index
      %get3A_153 = tpu.vector_load %arg6[%get3A_151, %get3A_152] {strides = array<i32>} : memref<640x64xf32, #tpu.memory_space<vmem>>, vector<1x16xf32>,
      %get3A_154 = vector.shape_cast %get3A_153 : vector<1x16xf32> to vector<16xf32>
      %add3A_155 = arith.addf %add3A_146, %get3A_154 : vector<16xf32>
      %mul3A_156 = arith.constant 20 : i32
      %mul3A_157 = arith.muli %scan3A_15, %mul3A_156 : i32
      %add3A_158 = arith.constant 16 : i32
      %add3A_159 = arith.addi %mul3A_157, %add3A_158 : i32
      %get3A_160 = arith.index_cast %add3A_159 : i32 to index
      %get3A_161 = arith.constant 0 : index
      %get3A_162 = tpu.vector_load %arg6[%get3A_160, %get3A_161] {strides = array<i32>} : memref<640x64xf32, #tpu.memory_space<vmem>>, vector<1x16xf32>,
      %get3A_163 = vector.shape_cast %get3A_162 : vector<1x16xf32> to vector<16xf32>
      %add3A_164 = arith.addf %add3A_155, %get3A_163 : vector<16xf32>
      %mul3A_165 = arith.constant 20 : i32
      %mul3A_166 = arith.muli %scan3A_15, %mul3A_165 : i32
      %add3A_167 = arith.constant 17 : i32
      %add3A_168 = arith.addi %mul3A_166, %add3A_167 : i32
      %get3A_169 = arith.index_cast %add3A_168 : i32 to index
      %get3A_170 = arith.constant 0 : index
      %get3A_171 = tpu.vector_load %arg6[%get3A_169, %get3A_170] {strides = array<i32>} : memref<640x64xf32, #tpu.memory_space<vmem>>, vector<1x16xf32>,
      %get3A_172 = vector.shape_cast %get3A_171 : vector<1x16xf32> to vector<16xf32>
      %add3A_173 = arith.addf %add3A_164, %get3A_172 : vector<16xf32>
      %mul3A_174 = arith.constant 20 : i32
      %mul3A_175 = arith.muli %scan3A_15, %mul3A_174 : i32
      %add3A_176 = arith.constant 18 : i32
      %add3A_177 = arith.addi %mul3A_175, %add3A_176 : i32
      %get3A_178 = arith.index_cast %add3A_177 : i32 to index
      %get3A_179 = arith.constant 0 : index
      %get3A_180 = tpu.vector_load %arg6[%get3A_178, %get3A_179] {strides = array<i32>} : memref<640x64xf32, #tpu.memory_space<vmem>>, vector<1x16xf32>,
      %get3A_181 = vector.shape_cast %get3A_180 : vector<1x16xf32> to vector<16xf32>
      %add3A_182 = arith.addf %add3A_173, %get3A_181 : vector<16xf32>
      %mul3A_183 = arith.constant 20 : i32
      %mul3A_184 = arith.muli %scan3A_15, %mul3A_183 : i32
      %add3A_185 = arith.constant 19 : i32
      %add3A_186 = arith.addi %mul3A_184, %add3A_185 : i32
      %get3A_187 = arith.index_cast %add3A_186 : i32 to index
      %get3A_188 = arith.constant 0 : index
      %get3A_189 = tpu.vector_load %arg6[%get3A_187, %get3A_188] {strides = array<i32>} : memref<640x64xf32, #tpu.memory_space<vmem>>, vector<1x16xf32>,
      %get3A_190 = vector.shape_cast %get3A_189 : vector<1x16xf32> to vector<16xf32>
      %add3A_191 = arith.addf %add3A_182, %get3A_190 : vector<16xf32>
      %mul3A_192 = vector.broadcast %scan3A_7 : f32 to vector<16xf32>
      %mul3A_193 = arith.mulf %add3A_191, %mul3A_192 : vector<16xf32>
      %swap3A = arith.index_cast %scan3A_15 : i32 to index
      %swap3A_194 = arith.constant 0 : index
      %swap3A_195 = tpu.vector_load %arg7[%swap3A, %swap3A_194] {strides = array<i32>} : memref<32x64xf32, #tpu.memory_space<vmem>>, vector<1x16xf32>,
      %swap3A_196 = vector.shape_cast %swap3A_195 : vector<1x16xf32> to vector<16xf32>
      %swap3A_197 = vector.shape_cast %mul3A_193 : vector<16xf32> to vector<1x16xf32>
      tpu.vector_store %arg7[%swap3A, %swap3A_194], %swap3A_197 {strides = array<i32>} : memref<32x64xf32, #tpu.memory_space<vmem>>, vector<1x16xf32>,
      %mul3A_198 = arith.constant 20 : i32
      %mul3A_199 = arith.muli %scan3A_15, %mul3A_198 : i32
      %get3A_200 = arith.index_cast %mul3A_199 : i32 to index
      %get3A_201 = arith.constant 16 : index
      %get3A_202 = tpu.vector_load %arg6[%get3A_200, %get3A_201] {strides = array<i32>} : memref<640x64xf32, #tpu.memory_space<vmem>>, vector<1x16xf32>,
      %get3A_203 = vector.shape_cast %get3A_202 : vector<1x16xf32> to vector<16xf32>
      %mul3A_204 = arith.constant 20 : i32
      %mul3A_205 = arith.muli %scan3A_15, %mul3A_204 : i32
      %add3A_206 = arith.constant 1 : i32
      %add3A_207 = arith.addi %mul3A_205, %add3A_206 : i32
      %get3A_208 = arith.index_cast %add3A_207 : i32 to index
      %get3A_209 = arith.constant 16 : index
      %get3A_210 = tpu.vector_load %arg6[%get3A_208, %get3A_209] {strides = array<i32>} : memref<640x64xf32, #tpu.memory_space<vmem>>, vector<1x16xf32>,
      %get3A_211 = vector.shape_cast %get3A_210 : vector<1x16xf32> to vector<16xf32>
      %add3A_212 = arith.addf %get3A_203, %get3A_211 : vector<16xf32>
      %mul3A_213 = arith.constant 20 : i32
      %mul3A_214 = arith.muli %scan3A_15, %mul3A_213 : i32
      %add3A_215 = arith.constant 2 : i32
      %add3A_216 = arith.addi %mul3A_214, %add3A_215 : i32
      %get3A_217 = arith.index_cast %add3A_216 : i32 to index
      %get3A_218 = arith.constant 16 : index
      %get3A_219 = tpu.vector_load %arg6[%get3A_217, %get3A_218] {strides = array<i32>} : memref<640x64xf32, #tpu.memory_space<vmem>>, vector<1x16xf32>,
      %get3A_220 = vector.shape_cast %get3A_219 : vector<1x16xf32> to vector<16xf32>
      %add3A_221 = arith.addf %add3A_212, %get3A_220 : vector<16xf32>
      %mul3A_222 = arith.constant 20 : i32
      %mul3A_223 = arith.muli %scan3A_15, %mul3A_222 : i32
      %add3A_224 = arith.constant 3 : i32
      %add3A_225 = arith.addi %mul3A_223, %add3A_224 : i32
      %get3A_226 = arith.index_cast %add3A_225 : i32 to index
      %get3A_227 = arith.constant 16 : index
      %get3A_228 = tpu.vector_load %arg6[%get3A_226, %get3A_227] {strides = array<i32>} : memref<640x64xf32, #tpu.memory_space<vmem>>, vector<1x16xf32>,
      %get3A_229 = vector.shape_cast %get3A_228 : vector<1x16xf32> to vector<16xf32>
      %add3A_230 = arith.addf %add3A_221, %get3A_229 : vector<16xf32>
      %mul3A_231 = arith.constant 20 : i32
      %mul3A_232 = arith.muli %scan3A_15, %mul3A_231 : i32
      %add3A_233 = arith.constant 4 : i32
      %add3A_234 = arith.addi %mul3A_232, %add3A_233 : i32
      %get3A_235 = arith.index_cast %add3A_234 : i32 to index
      %get3A_236 = arith.constant 16 : index
      %get3A_237 = tpu.vector_load %arg6[%get3A_235, %get3A_236] {strides = array<i32>} : memref<640x64xf32, #tpu.memory_space<vmem>>, vector<1x16xf32>,
      %get3A_238 = vector.shape_cast %get3A_237 : vector<1x16xf32> to vector<16xf32>
      %add3A_239 = arith.addf %add3A_230, %get3A_238 : vector<16xf32>
      %mul3A_240 = arith.constant 20 : i32
      %mul3A_241 = arith.muli %scan3A_15, %mul3A_240 : i32
      %add3A_242 = arith.constant 5 : i32
      %add3A_243 = arith.addi %mul3A_241, %add3A_242 : i32
      %get3A_244 = arith.index_cast %add3A_243 : i32 to index
      %get3A_245 = arith.constant 16 : index
      %get3A_246 = tpu.vector_load %arg6[%get3A_244, %get3A_245] {strides = array<i32>} : memref<640x64xf32, #tpu.memory_space<vmem>>, vector<1x16xf32>,
      %get3A_247 = vector.shape_cast %get3A_246 : vector<1x16xf32> to vector<16xf32>
      %add3A_248 = arith.addf %add3A_239, %get3A_247 : vector<16xf32>
      %mul3A_249 = arith.constant 20 : i32
      %mul3A_250 = arith.muli %scan3A_15, %mul3A_249 : i32
      %add3A_251 = arith.constant 6 : i32
      %add3A_252 = arith.addi %mul3A_250, %add3A_251 : i32
      %get3A_253 = arith.index_cast %add3A_252 : i32 to index
      %get3A_254 = arith.constant 16 : index
      %get3A_255 = tpu.vector_load %arg6[%get3A_253, %get3A_254] {strides = array<i32>} : memref<640x64xf32, #tpu.memory_space<vmem>>, vector<1x16xf32>,
      %get3A_256 = vector.shape_cast %get3A_255 : vector<1x16xf32> to vector<16xf32>
      %add3A_257 = arith.addf %add3A_248, %get3A_256 : vector<16xf32>
      %mul3A_258 = arith.constant 20 : i32
      %mul3A_259 = arith.muli %scan3A_15, %mul3A_258 : i32
      %add3A_260 = arith.constant 7 : i32
      %add3A_261 = arith.addi %mul3A_259, %add3A_260 : i32
      %get3A_262 = arith.index_cast %add3A_261 : i32 to index
      %get3A_263 = arith.constant 16 : index
      %get3A_264 = tpu.vector_load %arg6[%get3A_262, %get3A_263] {strides = array<i32>} : memref<640x64xf32, #tpu.memory_space<vmem>>, vector<1x16xf32>,
      %get3A_265 = vector.shape_cast %get3A_264 : vector<1x16xf32> to vector<16xf32>
      %add3A_266 = arith.addf %add3A_257, %get3A_265 : vector<16xf32>
      %mul3A_267 = arith.constant 20 : i32
      %mul3A_268 = arith.muli %scan3A_15, %mul3A_267 : i32
      %add3A_269 = arith.constant 8 : i32
      %add3A_270 = arith.addi %mul3A_268, %add3A_269 : i32
      %get3A_271 = arith.index_cast %add3A_270 : i32 to index
      %get3A_272 = arith.constant 16 : index
      %get3A_273 = tpu.vector_load %arg6[%get3A_271, %get3A_272] {strides = array<i32>} : memref<640x64xf32, #tpu.memory_space<vmem>>, vector<1x16xf32>,
      %get3A_274 = vector.shape_cast %get3A_273 : vector<1x16xf32> to vector<16xf32>
      %add3A_275 = arith.addf %add3A_266, %get3A_274 : vector<16xf32>
      %mul3A_276 = arith.constant 20 : i32
      %mul3A_277 = arith.muli %scan3A_15, %mul3A_276 : i32
      %add3A_278 = arith.constant 9 : i32
      %add3A_279 = arith.addi %mul3A_277, %add3A_278 : i32
      %get3A_280 = arith.index_cast %add3A_279 : i32 to index
      %get3A_281 = arith.constant 16 : index
      %get3A_282 = tpu.vector_load %arg6[%get3A_280, %get3A_281] {strides = array<i32>} : memref<640x64xf32, #tpu.memory_space<vmem>>, vector<1x16xf32>,
      %get3A_283 = vector.shape_cast %get3A_282 : vector<1x16xf32> to vector<16xf32>
      %add3A_284 = arith.addf %add3A_275, %get3A_283 : vector<16xf32>
      %mul3A_285 = arith.constant 20 : i32
      %mul3A_286 = arith.muli %scan3A_15, %mul3A_285 : i32
      %add3A_287 = arith.constant 10 : i32
      %add3A_288 = arith.addi %mul3A_286, %add3A_287 : i32
      %get3A_289 = arith.index_cast %add3A_288 : i32 to index
      %get3A_290 = arith.constant 16 : index
      %get3A_291 = tpu.vector_load %arg6[%get3A_289, %get3A_290] {strides = array<i32>} : memref<640x64xf32, #tpu.memory_space<vmem>>, vector<1x16xf32>,
      %get3A_292 = vector.shape_cast %get3A_291 : vector<1x16xf32> to vector<16xf32>
      %add3A_293 = arith.addf %add3A_284, %get3A_292 : vector<16xf32>
      %mul3A_294 = arith.constant 20 : i32
      %mul3A_295 = arith.muli %scan3A_15, %mul3A_294 : i32
      %add3A_296 = arith.constant 11 : i32
      %add3A_297 = arith.addi %mul3A_295, %add3A_296 : i32
      %get3A_298 = arith.index_cast %add3A_297 : i32 to index
      %get3A_299 = arith.constant 16 : index
      %get3A_300 = tpu.vector_load %arg6[%get3A_298, %get3A_299] {strides = array<i32>} : memref<640x64xf32, #tpu.memory_space<vmem>>, vector<1x16xf32>,
      %get3A_301 = vector.shape_cast %get3A_300 : vector<1x16xf32> to vector<16xf32>
      %add3A_302 = arith.addf %add3A_293, %get3A_301 : vector<16xf32>
      %mul3A_303 = arith.constant 20 : i32
      %mul3A_304 = arith.muli %scan3A_15, %mul3A_303 : i32
      %add3A_305 = arith.constant 12 : i32
      %add3A_306 = arith.addi %mul3A_304, %add3A_305 : i32
      %get3A_307 = arith.index_cast %add3A_306 : i32 to index
      %get3A_308 = arith.constant 16 : index
      %get3A_309 = tpu.vector_load %arg6[%get3A_307, %get3A_308] {strides = array<i32>} : memref<640x64xf32, #tpu.memory_space<vmem>>, vector<1x16xf32>,
      %get3A_310 = vector.shape_cast %get3A_309 : vector<1x16xf32> to vector<16xf32>
      %add3A_311 = arith.addf %add3A_302, %get3A_310 : vector<16xf32>
      %mul3A_312 = arith.constant 20 : i32
      %mul3A_313 = arith.muli %scan3A_15, %mul3A_312 : i32
      %add3A_314 = arith.constant 13 : i32
      %add3A_315 = arith.addi %mul3A_313, %add3A_314 : i32
      %get3A_316 = arith.index_cast %add3A_315 : i32 to index
      %get3A_317 = arith.constant 16 : index
      %get3A_318 = tpu.vector_load %arg6[%get3A_316, %get3A_317] {strides = array<i32>} : memref<640x64xf32, #tpu.memory_space<vmem>>, vector<1x16xf32>,
      %get3A_319 = vector.shape_cast %get3A_318 : vector<1x16xf32> to vector<16xf32>
      %add3A_320 = arith.addf %add3A_311, %get3A_319 : vector<16xf32>
      %mul3A_321 = arith.constant 20 : i32
      %mul3A_322 = arith.muli %scan3A_15, %mul3A_321 : i32
      %add3A_323 = arith.constant 14 : i32
      %add3A_324 = arith.addi %mul3A_322, %add3A_323 : i32
      %get3A_325 = arith.index_cast %add3A_324 : i32 to index
      %get3A_326 = arith.constant 16 : index
      %get3A_327 = tpu.vector_load %arg6[%get3A_325, %get3A_326] {strides = array<i32>} : memref<640x64xf32, #tpu.memory_space<vmem>>, vector<1x16xf32>,
      %get3A_328 = vector.shape_cast %get3A_327 : vector<1x16xf32> to vector<16xf32>
      %add3A_329 = arith.addf %add3A_320, %get3A_328 : vector<16xf32>
      %mul3A_330 = arith.constant 20 : i32
      %mul3A_331 = arith.muli %scan3A_15, %mul3A_330 : i32
      %add3A_332 = arith.constant 15 : i32
      %add3A_333 = arith.addi %mul3A_331, %add3A_332 : i32
      %get3A_334 = arith.index_cast %add3A_333 : i32 to index
      %get3A_335 = arith.constant 16 : index
      %get3A_336 = tpu.vector_load %arg6[%get3A_334, %get3A_335] {strides = array<i32>} : memref<640x64xf32, #tpu.memory_space<vmem>>, vector<1x16xf32>,
      %get3A_337 = vector.shape_cast %get3A_336 : vector<1x16xf32> to vector<16xf32>
      %add3A_338 = arith.addf %add3A_329, %get3A_337 : vector<16xf32>
      %mul3A_339 = arith.constant 20 : i32
      %mul3A_340 = arith.muli %scan3A_15, %mul3A_339 : i32
      %add3A_341 = arith.constant 16 : i32
      %add3A_342 = arith.addi %mul3A_340, %add3A_341 : i32
      %get3A_343 = arith.index_cast %add3A_342 : i32 to index
      %get3A_344 = arith.constant 16 : index
      %get3A_345 = tpu.vector_load %arg6[%get3A_343, %get3A_344] {strides = array<i32>} : memref<640x64xf32, #tpu.memory_space<vmem>>, vector<1x16xf32>,
      %get3A_346 = vector.shape_cast %get3A_345 : vector<1x16xf32> to vector<16xf32>
      %add3A_347 = arith.addf %add3A_338, %get3A_346 : vector<16xf32>
      %mul3A_348 = arith.constant 20 : i32
      %mul3A_349 = arith.muli %scan3A_15, %mul3A_348 : i32
      %add3A_350 = arith.constant 17 : i32
      %add3A_351 = arith.addi %mul3A_349, %add3A_350 : i32
      %get3A_352 = arith.index_cast %add3A_351 : i32 to index
      %get3A_353 = arith.constant 16 : index
      %get3A_354 = tpu.vector_load %arg6[%get3A_352, %get3A_353] {strides = array<i32>} : memref<640x64xf32, #tpu.memory_space<vmem>>, vector<1x16xf32>,
      %get3A_355 = vector.shape_cast %get3A_354 : vector<1x16xf32> to vector<16xf32>
      %add3A_356 = arith.addf %add3A_347, %get3A_355 : vector<16xf32>
      %mul3A_357 = arith.constant 20 : i32
      %mul3A_358 = arith.muli %scan3A_15, %mul3A_357 : i32
      %add3A_359 = arith.constant 18 : i32
      %add3A_360 = arith.addi %mul3A_358, %add3A_359 : i32
      %get3A_361 = arith.index_cast %add3A_360 : i32 to index
      %get3A_362 = arith.constant 16 : index
      %get3A_363 = tpu.vector_load %arg6[%get3A_361, %get3A_362] {strides = array<i32>} : memref<640x64xf32, #tpu.memory_space<vmem>>, vector<1x16xf32>,
      %get3A_364 = vector.shape_cast %get3A_363 : vector<1x16xf32> to vector<16xf32>
      %add3A_365 = arith.addf %add3A_356, %get3A_364 : vector<16xf32>
      %mul3A_366 = arith.constant 20 : i32
      %mul3A_367 = arith.muli %scan3A_15, %mul3A_366 : i32
      %add3A_368 = arith.constant 19 : i32
      %add3A_369 = arith.addi %mul3A_367, %add3A_368 : i32
      %get3A_370 = arith.index_cast %add3A_369 : i32 to index
      %get3A_371 = arith.constant 16 : index
      %get3A_372 = tpu.vector_load %arg6[%get3A_370, %get3A_371] {strides = array<i32>} : memref<640x64xf32, #tpu.memory_space<vmem>>, vector<1x16xf32>,
      %get3A_373 = vector.shape_cast %get3A_372 : vector<1x16xf32> to vector<16xf32>
      %add3A_374 = arith.addf %add3A_365, %get3A_373 : vector<16xf32>
      %mul3A_375 = vector.broadcast %scan3A_7 : f32 to vector<16xf32>
      %mul3A_376 = arith.mulf %add3A_374, %mul3A_375 : vector<16xf32>
      %swap3A_377 = arith.index_cast %scan3A_15 : i32 to index
      %swap3A_378 = arith.constant 16 : index
      %swap3A_379 = tpu.vector_load %arg7[%swap3A_377, %swap3A_378] {strides = array<i32>} : memref<32x64xf32, #tpu.memory_space<vmem>>, vector<1x16xf32>,
      %swap3A_380 = vector.shape_cast %swap3A_379 : vector<1x16xf32> to vector<16xf32>
      %swap3A_381 = vector.shape_cast %mul3A_376 : vector<16xf32> to vector<1x16xf32>
      tpu.vector_store %arg7[%swap3A_377, %swap3A_378], %swap3A_381 {strides = array<i32>} : memref<32x64xf32, #tpu.memory_space<vmem>>, vector<1x16xf32>,
      %mul3A_382 = arith.constant 20 : i32
      %mul3A_383 = arith.muli %scan3A_15, %mul3A_382 : i32
      %get3A_384 = arith.index_cast %mul3A_383 : i32 to index
      %get3A_385 = arith.constant 32 : index
      %get3A_386 = tpu.vector_load %arg6[%get3A_384, %get3A_385] {strides = array<i32>} : memref<640x64xf32, #tpu.memory_space<vmem>>, vector<1x16xf32>,
      %get3A_387 = vector.shape_cast %get3A_386 : vector<1x16xf32> to vector<16xf32>
      %mul3A_388 = arith.constant 20 : i32
      %mul3A_389 = arith.muli %scan3A_15, %mul3A_388 : i32
      %add3A_390 = arith.constant 1 : i32
      %add3A_391 = arith.addi %mul3A_389, %add3A_390 : i32
      %get3A_392 = arith.index_cast %add3A_391 : i32 to index
      %get3A_393 = arith.constant 32 : index
      %get3A_394 = tpu.vector_load %arg6[%get3A_392, %get3A_393] {strides = array<i32>} : memref<640x64xf32, #tpu.memory_space<vmem>>, vector<1x16xf32>,
      %get3A_395 = vector.shape_cast %get3A_394 : vector<1x16xf32> to vector<16xf32>
      %add3A_396 = arith.addf %get3A_387, %get3A_395 : vector<16xf32>
      %mul3A_397 = arith.constant 20 : i32
      %mul3A_398 = arith.muli %scan3A_15, %mul3A_397 : i32
      %add3A_399 = arith.constant 2 : i32
      %add3A_400 = arith.addi %mul3A_398, %add3A_399 : i32
      %get3A_401 = arith.index_cast %add3A_400 : i32 to index
      %get3A_402 = arith.constant 32 : index
      %get3A_403 = tpu.vector_load %arg6[%get3A_401, %get3A_402] {strides = array<i32>} : memref<640x64xf32, #tpu.memory_space<vmem>>, vector<1x16xf32>,
      %get3A_404 = vector.shape_cast %get3A_403 : vector<1x16xf32> to vector<16xf32>
      %add3A_405 = arith.addf %add3A_396, %get3A_404 : vector<16xf32>
      %mul3A_406 = arith.constant 20 : i32
      %mul3A_407 = arith.muli %scan3A_15, %mul3A_406 : i32
      %add3A_408 = arith.constant 3 : i32
      %add3A_409 = arith.addi %mul3A_407, %add3A_408 : i32
      %get3A_410 = arith.index_cast %add3A_409 : i32 to index
      %get3A_411 = arith.constant 32 : index
      %get3A_412 = tpu.vector_load %arg6[%get3A_410, %get3A_411] {strides = array<i32>} : memref<640x64xf32, #tpu.memory_space<vmem>>, vector<1x16xf32>,
      %get3A_413 = vector.shape_cast %get3A_412 : vector<1x16xf32> to vector<16xf32>
      %add3A_414 = arith.addf %add3A_405, %get3A_413 : vector<16xf32>
      %mul3A_415 = arith.constant 20 : i32
      %mul3A_416 = arith.muli %scan3A_15, %mul3A_415 : i32
      %add3A_417 = arith.constant 4 : i32
      %add3A_418 = arith.addi %mul3A_416, %add3A_417 : i32
      %get3A_419 = arith.index_cast %add3A_418 : i32 to index
      %get3A_420 = arith.constant 32 : index
      %get3A_421 = tpu.vector_load %arg6[%get3A_419, %get3A_420] {strides = array<i32>} : memref<640x64xf32, #tpu.memory_space<vmem>>, vector<1x16xf32>,
      %get3A_422 = vector.shape_cast %get3A_421 : vector<1x16xf32> to vector<16xf32>
      %add3A_423 = arith.addf %add3A_414, %get3A_422 : vector<16xf32>
      %mul3A_424 = arith.constant 20 : i32
      %mul3A_425 = arith.muli %scan3A_15, %mul3A_424 : i32
      %add3A_426 = arith.constant 5 : i32
      %add3A_427 = arith.addi %mul3A_425, %add3A_426 : i32
      %get3A_428 = arith.index_cast %add3A_427 : i32 to index
      %get3A_429 = arith.constant 32 : index
      %get3A_430 = tpu.vector_load %arg6[%get3A_428, %get3A_429] {strides = array<i32>} : memref<640x64xf32, #tpu.memory_space<vmem>>, vector<1x16xf32>,
      %get3A_431 = vector.shape_cast %get3A_430 : vector<1x16xf32> to vector<16xf32>
      %add3A_432 = arith.addf %add3A_423, %get3A_431 : vector<16xf32>
      %mul3A_433 = arith.constant 20 : i32
      %mul3A_434 = arith.muli %scan3A_15, %mul3A_433 : i32
      %add3A_435 = arith.constant 6 : i32
      %add3A_436 = arith.addi %mul3A_434, %add3A_435 : i32
      %get3A_437 = arith.index_cast %add3A_436 : i32 to index
      %get3A_438 = arith.constant 32 : index
      %get3A_439 = tpu.vector_load %arg6[%get3A_437, %get3A_438] {strides = array<i32>} : memref<640x64xf32, #tpu.memory_space<vmem>>, vector<1x16xf32>,
      %get3A_440 = vector.shape_cast %get3A_439 : vector<1x16xf32> to vector<16xf32>
      %add3A_441 = arith.addf %add3A_432, %get3A_440 : vector<16xf32>
      %mul3A_442 = arith.constant 20 : i32
      %mul3A_443 = arith.muli %scan3A_15, %mul3A_442 : i32
      %add3A_444 = arith.constant 7 : i32
      %add3A_445 = arith.addi %mul3A_443, %add3A_444 : i32
      %get3A_446 = arith.index_cast %add3A_445 : i32 to index
      %get3A_447 = arith.constant 32 : index
      %get3A_448 = tpu.vector_load %arg6[%get3A_446, %get3A_447] {strides = array<i32>} : memref<640x64xf32, #tpu.memory_space<vmem>>, vector<1x16xf32>,
      %get3A_449 = vector.shape_cast %get3A_448 : vector<1x16xf32> to vector<16xf32>
      %add3A_450 = arith.addf %add3A_441, %get3A_449 : vector<16xf32>
      %mul3A_451 = arith.constant 20 : i32
      %mul3A_452 = arith.muli %scan3A_15, %mul3A_451 : i32
      %add3A_453 = arith.constant 8 : i32
      %add3A_454 = arith.addi %mul3A_452, %add3A_453 : i32
      %get3A_455 = arith.index_cast %add3A_454 : i32 to index
      %get3A_456 = arith.constant 32 : index
      %get3A_457 = tpu.vector_load %arg6[%get3A_455, %get3A_456] {strides = array<i32>} : memref<640x64xf32, #tpu.memory_space<vmem>>, vector<1x16xf32>,
      %get3A_458 = vector.shape_cast %get3A_457 : vector<1x16xf32> to vector<16xf32>
      %add3A_459 = arith.addf %add3A_450, %get3A_458 : vector<16xf32>
      %mul3A_460 = arith.constant 20 : i32
      %mul3A_461 = arith.muli %scan3A_15, %mul3A_460 : i32
      %add3A_462 = arith.constant 9 : i32
      %add3A_463 = arith.addi %mul3A_461, %add3A_462 : i32
      %get3A_464 = arith.index_cast %add3A_463 : i32 to index
      %get3A_465 = arith.constant 32 : index
      %get3A_466 = tpu.vector_load %arg6[%get3A_464, %get3A_465] {strides = array<i32>} : memref<640x64xf32, #tpu.memory_space<vmem>>, vector<1x16xf32>,
      %get3A_467 = vector.shape_cast %get3A_466 : vector<1x16xf32> to vector<16xf32>
      %add3A_468 = arith.addf %add3A_459, %get3A_467 : vector<16xf32>
      %mul3A_469 = arith.constant 20 : i32
      %mul3A_470 = arith.muli %scan3A_15, %mul3A_469 : i32
      %add3A_471 = arith.constant 10 : i32
      %add3A_472 = arith.addi %mul3A_470, %add3A_471 : i32
      %get3A_473 = arith.index_cast %add3A_472 : i32 to index
      %get3A_474 = arith.constant 32 : index
      %get3A_475 = tpu.vector_load %arg6[%get3A_473, %get3A_474] {strides = array<i32>} : memref<640x64xf32, #tpu.memory_space<vmem>>, vector<1x16xf32>,
      %get3A_476 = vector.shape_cast %get3A_475 : vector<1x16xf32> to vector<16xf32>
      %add3A_477 = arith.addf %add3A_468, %get3A_476 : vector<16xf32>
      %mul3A_478 = arith.constant 20 : i32
      %mul3A_479 = arith.muli %scan3A_15, %mul3A_478 : i32
      %add3A_480 = arith.constant 11 : i32
      %add3A_481 = arith.addi %mul3A_479, %add3A_480 : i32
      %get3A_482 = arith.index_cast %add3A_481 : i32 to index
      %get3A_483 = arith.constant 32 : index
      %get3A_484 = tpu.vector_load %arg6[%get3A_482, %get3A_483] {strides = array<i32>} : memref<640x64xf32, #tpu.memory_space<vmem>>, vector<1x16xf32>,
      %get3A_485 = vector.shape_cast %get3A_484 : vector<1x16xf32> to vector<16xf32>
      %add3A_486 = arith.addf %add3A_477, %get3A_485 : vector<16xf32>
      %mul3A_487 = arith.constant 20 : i32
      %mul3A_488 = arith.muli %scan3A_15, %mul3A_487 : i32
      %add3A_489 = arith.constant 12 : i32
      %add3A_490 = arith.addi %mul3A_488, %add3A_489 : i32
      %get3A_491 = arith.index_cast %add3A_490 : i32 to index
      %get3A_492 = arith.constant 32 : index
      %get3A_493 = tpu.vector_load %arg6[%get3A_491, %get3A_492] {strides = array<i32>} : memref<640x64xf32, #tpu.memory_space<vmem>>, vector<1x16xf32>,
      %get3A_494 = vector.shape_cast %get3A_493 : vector<1x16xf32> to vector<16xf32>
      %add3A_495 = arith.addf %add3A_486, %get3A_494 : vector<16xf32>
      %mul3A_496 = arith.constant 20 : i32
      %mul3A_497 = arith.muli %scan3A_15, %mul3A_496 : i32
      %add3A_498 = arith.constant 13 : i32
      %add3A_499 = arith.addi %mul3A_497, %add3A_498 : i32
      %get3A_500 = arith.index_cast %add3A_499 : i32 to index
      %get3A_501 = arith.constant 32 : index
      %get3A_502 = tpu.vector_load %arg6[%get3A_500, %get3A_501] {strides = array<i32>} : memref<640x64xf32, #tpu.memory_space<vmem>>, vector<1x16xf32>,
      %get3A_503 = vector.shape_cast %get3A_502 : vector<1x16xf32> to vector<16xf32>
      %add3A_504 = arith.addf %add3A_495, %get3A_503 : vector<16xf32>
      %mul3A_505 = arith.constant 20 : i32
      %mul3A_506 = arith.muli %scan3A_15, %mul3A_505 : i32
      %add3A_507 = arith.constant 14 : i32
      %add3A_508 = arith.addi %mul3A_506, %add3A_507 : i32
      %get3A_509 = arith.index_cast %add3A_508 : i32 to index
      %get3A_510 = arith.constant 32 : index
      %get3A_511 = tpu.vector_load %arg6[%get3A_509, %get3A_510] {strides = array<i32>} : memref<640x64xf32, #tpu.memory_space<vmem>>, vector<1x16xf32>,
      %get3A_512 = vector.shape_cast %get3A_511 : vector<1x16xf32> to vector<16xf32>
      %add3A_513 = arith.addf %add3A_504, %get3A_512 : vector<16xf32>
      %mul3A_514 = arith.constant 20 : i32
      %mul3A_515 = arith.muli %scan3A_15, %mul3A_514 : i32
      %add3A_516 = arith.constant 15 : i32
      %add3A_517 = arith.addi %mul3A_515, %add3A_516 : i32
      %get3A_518 = arith.index_cast %add3A_517 : i32 to index
      %get3A_519 = arith.constant 32 : index
      %get3A_520 = tpu.vector_load %arg6[%get3A_518, %get3A_519] {strides = array<i32>} : memref<640x64xf32, #tpu.memory_space<vmem>>, vector<1x16xf32>,
      %get3A_521 = vector.shape_cast %get3A_520 : vector<1x16xf32> to vector<16xf32>
      %add3A_522 = arith.addf %add3A_513, %get3A_521 : vector<16xf32>
      %mul3A_523 = arith.constant 20 : i32
      %mul3A_524 = arith.muli %scan3A_15, %mul3A_523 : i32
      %add3A_525 = arith.constant 16 : i32
      %add3A_526 = arith.addi %mul3A_524, %add3A_525 : i32
      %get3A_527 = arith.index_cast %add3A_526 : i32 to index
      %get3A_528 = arith.constant 32 : index
      %get3A_529 = tpu.vector_load %arg6[%get3A_527, %get3A_528] {strides = array<i32>} : memref<640x64xf32, #tpu.memory_space<vmem>>, vector<1x16xf32>,
      %get3A_530 = vector.shape_cast %get3A_529 : vector<1x16xf32> to vector<16xf32>
      %add3A_531 = arith.addf %add3A_522, %get3A_530 : vector<16xf32>
      %mul3A_532 = arith.constant 20 : i32
      %mul3A_533 = arith.muli %scan3A_15, %mul3A_532 : i32
      %add3A_534 = arith.constant 17 : i32
      %add3A_535 = arith.addi %mul3A_533, %add3A_534 : i32
      %get3A_536 = arith.index_cast %add3A_535 : i32 to index
      %get3A_537 = arith.constant 32 : index
      %get3A_538 = tpu.vector_load %arg6[%get3A_536, %get3A_537] {strides = array<i32>} : memref<640x64xf32, #tpu.memory_space<vmem>>, vector<1x16xf32>,
      %get3A_539 = vector.shape_cast %get3A_538 : vector<1x16xf32> to vector<16xf32>
      %add3A_540 = arith.addf %add3A_531, %get3A_539 : vector<16xf32>
      %mul3A_541 = arith.constant 20 : i32
      %mul3A_542 = arith.muli %scan3A_15, %mul3A_541 : i32
      %add3A_543 = arith.constant 18 : i32
      %add3A_544 = arith.addi %mul3A_542, %add3A_543 : i32
      %get3A_545 = arith.index_cast %add3A_544 : i32 to index
      %get3A_546 = arith.constant 32 : index
      %get3A_547 = tpu.vector_load %arg6[%get3A_545, %get3A_546] {strides = array<i32>} : memref<640x64xf32, #tpu.memory_space<vmem>>, vector<1x16xf32>,
      %get3A_548 = vector.shape_cast %get3A_547 : vector<1x16xf32> to vector<16xf32>
      %add3A_549 = arith.addf %add3A_540, %get3A_548 : vector<16xf32>
      %mul3A_550 = arith.constant 20 : i32
      %mul3A_551 = arith.muli %scan3A_15, %mul3A_550 : i32
      %add3A_552 = arith.constant 19 : i32
      %add3A_553 = arith.addi %mul3A_551, %add3A_552 : i32
      %get3A_554 = arith.index_cast %add3A_553 : i32 to index
      %get3A_555 = arith.constant 32 : index
      %get3A_556 = tpu.vector_load %arg6[%get3A_554, %get3A_555] {strides = array<i32>} : memref<640x64xf32, #tpu.memory_space<vmem>>, vector<1x16xf32>,
      %get3A_557 = vector.shape_cast %get3A_556 : vector<1x16xf32> to vector<16xf32>
      %add3A_558 = arith.addf %add3A_549, %get3A_557 : vector<16xf32>
      %mul3A_559 = vector.broadcast %scan3A_7 : f32 to vector<16xf32>
      %mul3A_560 = arith.mulf %add3A_558, %mul3A_559 : vector<16xf32>
      %swap3A_561 = arith.index_cast %scan3A_15 : i32 to index
      %swap3A_562 = arith.constant 32 : index
      %swap3A_563 = tpu.vector_load %arg7[%swap3A_561, %swap3A_562] {strides = array<i32>} : memref<32x64xf32, #tpu.memory_space<vmem>>, vector<1x16xf32>,
      %swap3A_564 = vector.shape_cast %swap3A_563 : vector<1x16xf32> to vector<16xf32>
      %swap3A_565 = vector.shape_cast %mul3A_560 : vector<16xf32> to vector<1x16xf32>
      tpu.vector_store %arg7[%swap3A_561, %swap3A_562], %swap3A_565 {strides = array<i32>} : memref<32x64xf32, #tpu.memory_space<vmem>>, vector<1x16xf32>,
      %mul3A_566 = arith.constant 20 : i32
      %mul3A_567 = arith.muli %scan3A_15, %mul3A_566 : i32
      %get3A_568 = arith.index_cast %mul3A_567 : i32 to index
      %get3A_569 = arith.constant 48 : index
      %get3A_570 = tpu.vector_load %arg6[%get3A_568, %get3A_569] {strides = array<i32>} : memref<640x64xf32, #tpu.memory_space<vmem>>, vector<1x16xf32>,
      %get3A_571 = vector.shape_cast %get3A_570 : vector<1x16xf32> to vector<16xf32>
      %mul3A_572 = arith.constant 20 : i32
      %mul3A_573 = arith.muli %scan3A_15, %mul3A_572 : i32
      %add3A_574 = arith.constant 1 : i32
      %add3A_575 = arith.addi %mul3A_573, %add3A_574 : i32
      %get3A_576 = arith.index_cast %add3A_575 : i32 to index
      %get3A_577 = arith.constant 48 : index
      %get3A_578 = tpu.vector_load %arg6[%get3A_576, %get3A_577] {strides = array<i32>} : memref<640x64xf32, #tpu.memory_space<vmem>>, vector<1x16xf32>,
      %get3A_579 = vector.shape_cast %get3A_578 : vector<1x16xf32> to vector<16xf32>
      %add3A_580 = arith.addf %get3A_571, %get3A_579 : vector<16xf32>
      %mul3A_581 = arith.constant 20 : i32
      %mul3A_582 = arith.muli %scan3A_15, %mul3A_581 : i32
      %add3A_583 = arith.constant 2 : i32
      %add3A_584 = arith.addi %mul3A_582, %add3A_583 : i32
      %get3A_585 = arith.index_cast %add3A_584 : i32 to index
      %get3A_586 = arith.constant 48 : index
      %get3A_587 = tpu.vector_load %arg6[%get3A_585, %get3A_586] {strides = array<i32>} : memref<640x64xf32, #tpu.memory_space<vmem>>, vector<1x16xf32>,
      %get3A_588 = vector.shape_cast %get3A_587 : vector<1x16xf32> to vector<16xf32>
      %add3A_589 = arith.addf %add3A_580, %get3A_588 : vector<16xf32>
      %mul3A_590 = arith.constant 20 : i32
      %mul3A_591 = arith.muli %scan3A_15, %mul3A_590 : i32
      %add3A_592 = arith.constant 3 : i32
      %add3A_593 = arith.addi %mul3A_591, %add3A_592 : i32
      %get3A_594 = arith.index_cast %add3A_593 : i32 to index
      %get3A_595 = arith.constant 48 : index
      %get3A_596 = tpu.vector_load %arg6[%get3A_594, %get3A_595] {strides = array<i32>} : memref<640x64xf32, #tpu.memory_space<vmem>>, vector<1x16xf32>,
      %get3A_597 = vector.shape_cast %get3A_596 : vector<1x16xf32> to vector<16xf32>
      %add3A_598 = arith.addf %add3A_589, %get3A_597 : vector<16xf32>
      %mul3A_599 = arith.constant 20 : i32
      %mul3A_600 = arith.muli %scan3A_15, %mul3A_599 : i32
      %add3A_601 = arith.constant 4 : i32
      %add3A_602 = arith.addi %mul3A_600, %add3A_601 : i32
      %get3A_603 = arith.index_cast %add3A_602 : i32 to index
      %get3A_604 = arith.constant 48 : index
      %get3A_605 = tpu.vector_load %arg6[%get3A_603, %get3A_604] {strides = array<i32>} : memref<640x64xf32, #tpu.memory_space<vmem>>, vector<1x16xf32>,
      %get3A_606 = vector.shape_cast %get3A_605 : vector<1x16xf32> to vector<16xf32>
      %add3A_607 = arith.addf %add3A_598, %get3A_606 : vector<16xf32>
      %mul3A_608 = arith.constant 20 : i32
      %mul3A_609 = arith.muli %scan3A_15, %mul3A_608 : i32
      %add3A_610 = arith.constant 5 : i32
      %add3A_611 = arith.addi %mul3A_609, %add3A_610 : i32
      %get3A_612 = arith.index_cast %add3A_611 : i32 to index
      %get3A_613 = arith.constant 48 : index
      %get3A_614 = tpu.vector_load %arg6[%get3A_612, %get3A_613] {strides = array<i32>} : memref<640x64xf32, #tpu.memory_space<vmem>>, vector<1x16xf32>,
      %get3A_615 = vector.shape_cast %get3A_614 : vector<1x16xf32> to vector<16xf32>
      %add3A_616 = arith.addf %add3A_607, %get3A_615 : vector<16xf32>
      %mul3A_617 = arith.constant 20 : i32
      %mul3A_618 = arith.muli %scan3A_15, %mul3A_617 : i32
      %add3A_619 = arith.constant 6 : i32
      %add3A_620 = arith.addi %mul3A_618, %add3A_619 : i32
      %get3A_621 = arith.index_cast %add3A_620 : i32 to index
      %get3A_622 = arith.constant 48 : index
      %get3A_623 = tpu.vector_load %arg6[%get3A_621, %get3A_622] {strides = array<i32>} : memref<640x64xf32, #tpu.memory_space<vmem>>, vector<1x16xf32>,
      %get3A_624 = vector.shape_cast %get3A_623 : vector<1x16xf32> to vector<16xf32>
      %add3A_625 = arith.addf %add3A_616, %get3A_624 : vector<16xf32>
      %mul3A_626 = arith.constant 20 : i32
      %mul3A_627 = arith.muli %scan3A_15, %mul3A_626 : i32
      %add3A_628 = arith.constant 7 : i32
      %add3A_629 = arith.addi %mul3A_627, %add3A_628 : i32
      %get3A_630 = arith.index_cast %add3A_629 : i32 to index
      %get3A_631 = arith.constant 48 : index
      %get3A_632 = tpu.vector_load %arg6[%get3A_630, %get3A_631] {strides = array<i32>} : memref<640x64xf32, #tpu.memory_space<vmem>>, vector<1x16xf32>,
      %get3A_633 = vector.shape_cast %get3A_632 : vector<1x16xf32> to vector<16xf32>
      %add3A_634 = arith.addf %add3A_625, %get3A_633 : vector<16xf32>
      %mul3A_635 = arith.constant 20 : i32
      %mul3A_636 = arith.muli %scan3A_15, %mul3A_635 : i32
      %add3A_637 = arith.constant 8 : i32
      %add3A_638 = arith.addi %mul3A_636, %add3A_637 : i32
      %get3A_639 = arith.index_cast %add3A_638 : i32 to index
      %get3A_640 = arith.constant 48 : index
      %get3A_641 = tpu.vector_load %arg6[%get3A_639, %get3A_640] {strides = array<i32>} : memref<640x64xf32, #tpu.memory_space<vmem>>, vector<1x16xf32>,
      %get3A_642 = vector.shape_cast %get3A_641 : vector<1x16xf32> to vector<16xf32>
      %add3A_643 = arith.addf %add3A_634, %get3A_642 : vector<16xf32>
      %mul3A_644 = arith.constant 20 : i32
      %mul3A_645 = arith.muli %scan3A_15, %mul3A_644 : i32
      %add3A_646 = arith.constant 9 : i32
      %add3A_647 = arith.addi %mul3A_645, %add3A_646 : i32
      %get3A_648 = arith.index_cast %add3A_647 : i32 to index
      %get3A_649 = arith.constant 48 : index
      %get3A_650 = tpu.vector_load %arg6[%get3A_648, %get3A_649] {strides = array<i32>} : memref<640x64xf32, #tpu.memory_space<vmem>>, vector<1x16xf32>,
      %get3A_651 = vector.shape_cast %get3A_650 : vector<1x16xf32> to vector<16xf32>
      %add3A_652 = arith.addf %add3A_643, %get3A_651 : vector<16xf32>
      %mul3A_653 = arith.constant 20 : i32
      %mul3A_654 = arith.muli %scan3A_15, %mul3A_653 : i32
      %add3A_655 = arith.constant 10 : i32
      %add3A_656 = arith.addi %mul3A_654, %add3A_655 : i32
      %get3A_657 = arith.index_cast %add3A_656 : i32 to index
      %get3A_658 = arith.constant 48 : index
      %get3A_659 = tpu.vector_load %arg6[%get3A_657, %get3A_658] {strides = array<i32>} : memref<640x64xf32, #tpu.memory_space<vmem>>, vector<1x16xf32>,
      %get3A_660 = vector.shape_cast %get3A_659 : vector<1x16xf32> to vector<16xf32>
      %add3A_661 = arith.addf %add3A_652, %get3A_660 : vector<16xf32>
      %mul3A_662 = arith.constant 20 : i32
      %mul3A_663 = arith.muli %scan3A_15, %mul3A_662 : i32
      %add3A_664 = arith.constant 11 : i32
      %add3A_665 = arith.addi %mul3A_663, %add3A_664 : i32
      %get3A_666 = arith.index_cast %add3A_665 : i32 to index
      %get3A_667 = arith.constant 48 : index
      %get3A_668 = tpu.vector_load %arg6[%get3A_666, %get3A_667] {strides = array<i32>} : memref<640x64xf32, #tpu.memory_space<vmem>>, vector<1x16xf32>,
      %get3A_669 = vector.shape_cast %get3A_668 : vector<1x16xf32> to vector<16xf32>
      %add3A_670 = arith.addf %add3A_661, %get3A_669 : vector<16xf32>
      %mul3A_671 = arith.constant 20 : i32
      %mul3A_672 = arith.muli %scan3A_15, %mul3A_671 : i32
      %add3A_673 = arith.constant 12 : i32
      %add3A_674 = arith.addi %mul3A_672, %add3A_673 : i32
      %get3A_675 = arith.index_cast %add3A_674 : i32 to index
      %get3A_676 = arith.constant 48 : index
      %get3A_677 = tpu.vector_load %arg6[%get3A_675, %get3A_676] {strides = array<i32>} : memref<640x64xf32, #tpu.memory_space<vmem>>, vector<1x16xf32>,
      %get3A_678 = vector.shape_cast %get3A_677 : vector<1x16xf32> to vector<16xf32>
      %add3A_679 = arith.addf %add3A_670, %get3A_678 : vector<16xf32>
      %mul3A_680 = arith.constant 20 : i32
      %mul3A_681 = arith.muli %scan3A_15, %mul3A_680 : i32
      %add3A_682 = arith.constant 13 : i32
      %add3A_683 = arith.addi %mul3A_681, %add3A_682 : i32
      %get3A_684 = arith.index_cast %add3A_683 : i32 to index
      %get3A_685 = arith.constant 48 : index
      %get3A_686 = tpu.vector_load %arg6[%get3A_684, %get3A_685] {strides = array<i32>} : memref<640x64xf32, #tpu.memory_space<vmem>>, vector<1x16xf32>,
      %get3A_687 = vector.shape_cast %get3A_686 : vector<1x16xf32> to vector<16xf32>
      %add3A_688 = arith.addf %add3A_679, %get3A_687 : vector<16xf32>
      %mul3A_689 = arith.constant 20 : i32
      %mul3A_690 = arith.muli %scan3A_15, %mul3A_689 : i32
      %add3A_691 = arith.constant 14 : i32
      %add3A_692 = arith.addi %mul3A_690, %add3A_691 : i32
      %get3A_693 = arith.index_cast %add3A_692 : i32 to index
      %get3A_694 = arith.constant 48 : index
      %get3A_695 = tpu.vector_load %arg6[%get3A_693, %get3A_694] {strides = array<i32>} : memref<640x64xf32, #tpu.memory_space<vmem>>, vector<1x16xf32>,
      %get3A_696 = vector.shape_cast %get3A_695 : vector<1x16xf32> to vector<16xf32>
      %add3A_697 = arith.addf %add3A_688, %get3A_696 : vector<16xf32>
      %mul3A_698 = arith.constant 20 : i32
      %mul3A_699 = arith.muli %scan3A_15, %mul3A_698 : i32
      %add3A_700 = arith.constant 15 : i32
      %add3A_701 = arith.addi %mul3A_699, %add3A_700 : i32
      %get3A_702 = arith.index_cast %add3A_701 : i32 to index
      %get3A_703 = arith.constant 48 : index
      %get3A_704 = tpu.vector_load %arg6[%get3A_702, %get3A_703] {strides = array<i32>} : memref<640x64xf32, #tpu.memory_space<vmem>>, vector<1x16xf32>,
      %get3A_705 = vector.shape_cast %get3A_704 : vector<1x16xf32> to vector<16xf32>
      %add3A_706 = arith.addf %add3A_697, %get3A_705 : vector<16xf32>
      %mul3A_707 = arith.constant 20 : i32
      %mul3A_708 = arith.muli %scan3A_15, %mul3A_707 : i32
      %add3A_709 = arith.constant 16 : i32
      %add3A_710 = arith.addi %mul3A_708, %add3A_709 : i32
      %get3A_711 = arith.index_cast %add3A_710 : i32 to index
      %get3A_712 = arith.constant 48 : index
      %get3A_713 = tpu.vector_load %arg6[%get3A_711, %get3A_712] {strides = array<i32>} : memref<640x64xf32, #tpu.memory_space<vmem>>, vector<1x16xf32>,
      %get3A_714 = vector.shape_cast %get3A_713 : vector<1x16xf32> to vector<16xf32>
      %add3A_715 = arith.addf %add3A_706, %get3A_714 : vector<16xf32>
      %mul3A_716 = arith.constant 20 : i32
      %mul3A_717 = arith.muli %scan3A_15, %mul3A_716 : i32
      %add3A_718 = arith.constant 17 : i32
      %add3A_719 = arith.addi %mul3A_717, %add3A_718 : i32
      %get3A_720 = arith.index_cast %add3A_719 : i32 to index
      %get3A_721 = arith.constant 48 : index
      %get3A_722 = tpu.vector_load %arg6[%get3A_720, %get3A_721] {strides = array<i32>} : memref<640x64xf32, #tpu.memory_space<vmem>>, vector<1x16xf32>,
      %get3A_723 = vector.shape_cast %get3A_722 : vector<1x16xf32> to vector<16xf32>
      %add3A_724 = arith.addf %add3A_715, %get3A_723 : vector<16xf32>
      %mul3A_725 = arith.constant 20 : i32
      %mul3A_726 = arith.muli %scan3A_15, %mul3A_725 : i32
      %add3A_727 = arith.constant 18 : i32
      %add3A_728 = arith.addi %mul3A_726, %add3A_727 : i32
      %get3A_729 = arith.index_cast %add3A_728 : i32 to index
      %get3A_730 = arith.constant 48 : index
      %get3A_731 = tpu.vector_load %arg6[%get3A_729, %get3A_730] {strides = array<i32>} : memref<640x64xf32, #tpu.memory_space<vmem>>, vector<1x16xf32>,
      %get3A_732 = vector.shape_cast %get3A_731 : vector<1x16xf32> to vector<16xf32>
      %add3A_733 = arith.addf %add3A_724, %get3A_732 : vector<16xf32>
      %mul3A_734 = arith.constant 20 : i32
      %mul3A_735 = arith.muli %scan3A_15, %mul3A_734 : i32
      %add3A_736 = arith.constant 19 : i32
      %add3A_737 = arith.addi %mul3A_735, %add3A_736 : i32
      %get3A_738 = arith.index_cast %add3A_737 : i32 to index
      %get3A_739 = arith.constant 48 : index
      %get3A_740 = tpu.vector_load %arg6[%get3A_738, %get3A_739] {strides = array<i32>} : memref<640x64xf32, #tpu.memory_space<vmem>>, vector<1x16xf32>,
      %get3A_741 = vector.shape_cast %get3A_740 : vector<1x16xf32> to vector<16xf32>
      %add3A_742 = arith.addf %add3A_733, %get3A_741 : vector<16xf32>
      %mul3A_743 = vector.broadcast %scan3A_7 : f32 to vector<16xf32>
      %mul3A_744 = arith.mulf %add3A_742, %mul3A_743 : vector<16xf32>
      %swap3A_745 = arith.index_cast %scan3A_15 : i32 to index
      %swap3A_746 = arith.constant 48 : index
      %swap3A_747 = tpu.vector_load %arg7[%swap3A_745, %swap3A_746] {strides = array<i32>} : memref<32x64xf32, #tpu.memory_space<vmem>>, vector<1x16xf32>,
      %swap3A_748 = vector.shape_cast %swap3A_747 : vector<1x16xf32> to vector<16xf32>
      %swap3A_749 = vector.shape_cast %mul3A_744 : vector<16xf32> to vector<1x16xf32>
      tpu.vector_store %arg7[%swap3A_745, %swap3A_746], %swap3A_749 {strides = array<i32>} : memref<32x64xf32, #tpu.memory_space<vmem>>, vector<1x16xf32>,
    }
    %scan3A_12 = arith.constant 32 : i32
    %mul3A_13 = arith.constant 32 : i32
    %mul3A_14 = arith.muli %add3A, %mul3A_13 : i32
    "tpu.region"() ({
      %run_scoped3A = tpu.sem_alloc : memref<!tpu.dma_semaphore, #tpu.memory_space<semaphore_mem>>
      %dma_start3A_15 = arith.constant 0 : i32
      %dma_start3A_16 = tpu.memref_slice %arg4[%mul3A_14, %dma_start3A_15] : memref<1024x64xf32, #tpu.memory_space<hbm>> -> memref<32x64xf32, #tpu.memory_space<hbm>>
      %dma_start3A_17 = arith.constant 0 : i32
      %dma_start3A_18 = tpu.memref_slice %arg4[%mul3A_14, %dma_start3A_17] : memref<1024x64xf32, #tpu.memory_space<hbm>> -> memref<32x64xf32, #tpu.memory_space<hbm>>
      tpu.enqueue_dma source(%arg7 : memref<32x64xf32, #tpu.memory_space<vmem>>) target(%dma_start3A_18 : memref<32x64xf32, #tpu.memory_space<hbm>>) target_semaphore(%run_scoped3A : memref<!tpu.dma_semaphore, #tpu.memory_space<semaphore_mem>>)
      %dma_wait3A_19 = arith.constant 0 : i32
      %dma_wait3A_20 = tpu.memref_slice %arg4[%mul3A_14, %dma_wait3A_19] : memref<1024x64xf32, #tpu.memory_space<hbm>> -> memref<32x64xf32, #tpu.memory_space<hbm>>
      %dma_wait3A_21 = arith.constant 0 : i32
      %dma_wait3A_22 = tpu.memref_slice %arg4[%mul3A_14, %dma_wait3A_21] : memref<1024x64xf32, #tpu.memory_space<hbm>> -> memref<32x64xf32, #tpu.memory_space<hbm>>
      tpu.wait_dma2 semaphore(%run_scoped3A : memref<!tpu.dma_semaphore, #tpu.memory_space<semaphore_mem>>) src(%arg7 : memref<32x64xf32, #tpu.memory_space<vmem>>) dst(%dma_wait3A_22 : memref<32x64xf32, #tpu.memory_space<hbm>>)
      tpu.yield
    }) : () -> ()
    return
  }
}

module attributes {stable_mosaic.version = 14 : i64} {
  func.func @_mm_manual(%arg0: memref<1024x64xf32, #tpu.memory_space<any>>, %arg1: memref<64x100000xf32, #tpu.memory_space<any>>, %arg2: memref<102400xf32, #tpu.memory_space<any>>, %arg3: memref<1024x100000xf32, #tpu.memory_space<any>>, %arg4: memref<1024x64xf32, #tpu.memory_space<vmem>>, %arg5: memref<102400xf32, #tpu.memory_space<vmem>>, %arg6: memref<4x64x4096xf32, #tpu.memory_space<vmem>>, %arg7: memref<3x1024x4096xf32, #tpu.memory_space<vmem>>, %arg8: memref<64x32xf32, #tpu.memory_space<vmem>>, %arg9: memref<1024x32xf32, #tpu.memory_space<vmem>>, %arg10: memref<!tpu.dma_semaphore, #tpu.memory_space<semaphore_mem>>, %arg11: memref<4x!tpu.dma_semaphore, #tpu.memory_space<semaphore_mem>>, %arg12: memref<3x!tpu.dma_semaphore, #tpu.memory_space<semaphore_mem>>) attributes {dimension_semantics = [], scalar_prefetch = 0 : i64, scratch_operands = 9 : i64, tpu.core_type = #tpu.core_type<tc>} {
    tpu.enqueue_dma source(%arg0 : memref<1024x64xf32, #tpu.memory_space<any>>) target(%arg4 : memref<1024x64xf32, #tpu.memory_space<vmem>>) target_semaphore(%arg10 : memref<!tpu.dma_semaphore, #tpu.memory_space<semaphore_mem>>)
    tpu.enqueue_dma source(%arg2 : memref<102400xf32, #tpu.memory_space<any>>) target(%arg5 : memref<102400xf32, #tpu.memory_space<vmem>>) target_semaphore(%arg10 : memref<!tpu.dma_semaphore, #tpu.memory_space<semaphore_mem>>)
    %dma_start3A = arith.constant 0 : i32
    %dma_start3A_0 = arith.constant 0 : i32
    %dma_start3A_1 = tpu.memref_slice %arg11[%dma_start3A_0] : memref<4x!tpu.dma_semaphore, #tpu.memory_space<semaphore_mem>> -> memref<1x!tpu.dma_semaphore, #tpu.memory_space<semaphore_mem>>
    %dma_start3A_2 = tpu.memref_squeeze %dma_start3A_1 : memref<1x!tpu.dma_semaphore, #tpu.memory_space<semaphore_mem>> -> memref<!tpu.dma_semaphore, #tpu.memory_space<semaphore_mem>>
    %dma_start3A_3 = arith.constant 0 : i32
    %dma_start3A_4 = arith.constant 0 : i32
    %dma_start3A_5 = tpu.memref_slice %arg6[%dma_start3A, %dma_start3A_3, %dma_start3A_4] : memref<4x64x4096xf32, #tpu.memory_space<vmem>> -> memref<1x64x4096xf32, #tpu.memory_space<vmem>>
    %dma_start3A_6 = tpu.memref_squeeze %dma_start3A_5 : memref<1x64x4096xf32, #tpu.memory_space<vmem>> -> memref<64x4096xf32, #tpu.memory_space<vmem>>
    %dma_start3A_7 = arith.constant 0 : i32
    %dma_start3A_8 = arith.constant 0 : i32
    %dma_start3A_9 = tpu.memref_slice %arg1[%dma_start3A_7, %dma_start3A_8] : memref<64x100000xf32, #tpu.memory_space<any>> -> memref<64x4096xf32, #tpu.memory_space<any>>
    tpu.enqueue_dma source(%dma_start3A_9 : memref<64x4096xf32, #tpu.memory_space<any>>) target(%dma_start3A_6 : memref<64x4096xf32, #tpu.memory_space<vmem>>) target_semaphore(%dma_start3A_2 : memref<!tpu.dma_semaphore, #tpu.memory_space<semaphore_mem>>)
    %dma_start3A_10 = arith.constant 1 : i32
    %dma_start3A_11 = arith.constant 1 : i32
    %dma_start3A_12 = tpu.memref_slice %arg11[%dma_start3A_11] : memref<4x!tpu.dma_semaphore, #tpu.memory_space<semaphore_mem>> -> memref<1x!tpu.dma_semaphore, #tpu.memory_space<semaphore_mem>>
    %dma_start3A_13 = tpu.memref_squeeze %dma_start3A_12 : memref<1x!tpu.dma_semaphore, #tpu.memory_space<semaphore_mem>> -> memref<!tpu.dma_semaphore, #tpu.memory_space<semaphore_mem>>
    %dma_start3A_14 = arith.constant 0 : i32
    %dma_start3A_15 = arith.constant 0 : i32
    %dma_start3A_16 = tpu.memref_slice %arg6[%dma_start3A_10, %dma_start3A_14, %dma_start3A_15] : memref<4x64x4096xf32, #tpu.memory_space<vmem>> -> memref<1x64x4096xf32, #tpu.memory_space<vmem>>
    %dma_start3A_17 = tpu.memref_squeeze %dma_start3A_16 : memref<1x64x4096xf32, #tpu.memory_space<vmem>> -> memref<64x4096xf32, #tpu.memory_space<vmem>>
    %dma_start3A_18 = arith.constant 0 : i32
    %dma_start3A_19 = arith.constant 4096 : i32
    %dma_start3A_20 = tpu.memref_slice %arg1[%dma_start3A_18, %dma_start3A_19] : memref<64x100000xf32, #tpu.memory_space<any>> -> memref<64x4096xf32, #tpu.memory_space<any>>
    tpu.enqueue_dma source(%dma_start3A_20 : memref<64x4096xf32, #tpu.memory_space<any>>) target(%dma_start3A_17 : memref<64x4096xf32, #tpu.memory_space<vmem>>) target_semaphore(%dma_start3A_13 : memref<!tpu.dma_semaphore, #tpu.memory_space<semaphore_mem>>)
    tpu.wait_dma2 semaphore(%arg10 : memref<!tpu.dma_semaphore, #tpu.memory_space<semaphore_mem>>) src(%arg0 : memref<1024x64xf32, #tpu.memory_space<any>>) dst(%arg4 : memref<1024x64xf32, #tpu.memory_space<vmem>>)
    tpu.wait_dma2 semaphore(%arg10 : memref<!tpu.dma_semaphore, #tpu.memory_space<semaphore_mem>>) src(%arg2 : memref<102400xf32, #tpu.memory_space<any>>) dst(%arg5 : memref<102400xf32, #tpu.memory_space<vmem>>)
    %scan3A = arith.constant 0 : i32
    %scan3A_21 = arith.constant 24 : i32
    %scan3A_22 = arith.addi %scan3A, %scan3A_21 : i32
    %scan3A_23 = arith.constant 1 : i32
    scf.for %scan3A_156 = %scan3A to %scan3A_22 step %scan3A_23  : i32 {
      %rem3A = arith.constant 4 : i32
      %rem3A_157 = arith.remsi %scan3A_156, %rem3A : i32
      %rem3A_158 = arith.constant 3 : i32
      %rem3A_159 = arith.remsi %scan3A_156, %rem3A_158 : i32
      %add3A_160 = arith.constant 2 : i32
      %add3A_161 = arith.addi %scan3A_156, %add3A_160 : i32
      %lt3A = arith.constant 24 : i32
      %lt3A_162 = arith.cmpi slt, %add3A_161, %lt3A : i32
      %convert_element_type3A_163 = arith.extui %lt3A_162 : i1 to i32
      %cond3A = arith.constant 0 : i32
      %cond3A_164 = arith.cmpi ne, %convert_element_type3A_163, %cond3A : i32
      scf.if %cond3A_164 {
        %add3A_213 = arith.constant 2 : i32
        %add3A_214 = arith.addi %scan3A_156, %add3A_213 : i32
        %add3A_215 = arith.constant 2 : i32
        %add3A_216 = arith.addi %scan3A_156, %add3A_215 : i32
        %rem3A_217 = arith.constant 4 : i32
        %rem3A_218 = arith.remsi %add3A_216, %rem3A_217 : i32
        %mul3A_219 = arith.constant 4096 : i32
        %mul3A_220 = arith.muli %add3A_214, %mul3A_219 : i32
        %dma_start3A_221 = tpu.memref_slice %arg11[%rem3A_218] : memref<4x!tpu.dma_semaphore, #tpu.memory_space<semaphore_mem>> -> memref<1x!tpu.dma_semaphore, #tpu.memory_space<semaphore_mem>>
        %dma_start3A_222 = tpu.memref_squeeze %dma_start3A_221 : memref<1x!tpu.dma_semaphore, #tpu.memory_space<semaphore_mem>> -> memref<!tpu.dma_semaphore, #tpu.memory_space<semaphore_mem>>
        %dma_start3A_223 = arith.constant 0 : i32
        %dma_start3A_224 = arith.constant 0 : i32
        %dma_start3A_225 = tpu.memref_slice %arg6[%rem3A_218, %dma_start3A_223, %dma_start3A_224] : memref<4x64x4096xf32, #tpu.memory_space<vmem>> -> memref<1x64x4096xf32, #tpu.memory_space<vmem>>
        %dma_start3A_226 = tpu.memref_squeeze %dma_start3A_225 : memref<1x64x4096xf32, #tpu.memory_space<vmem>> -> memref<64x4096xf32, #tpu.memory_space<vmem>>
        %dma_start3A_227 = arith.constant 0 : i32
        %dma_start3A_228 = tpu.memref_slice %arg1[%dma_start3A_227, %mul3A_220] : memref<64x100000xf32, #tpu.memory_space<any>> -> memref<64x4096xf32, #tpu.memory_space<any>>
        tpu.enqueue_dma source(%dma_start3A_228 : memref<64x4096xf32, #tpu.memory_space<any>>) target(%dma_start3A_226 : memref<64x4096xf32, #tpu.memory_space<vmem>>) target_semaphore(%dma_start3A_222 : memref<!tpu.dma_semaphore, #tpu.memory_space<semaphore_mem>>)
      } else {
      }
      %mul3A = arith.constant 4096 : i32
      %mul3A_165 = arith.muli %scan3A_156, %mul3A : i32
      %dma_wait3A_166 = tpu.memref_slice %arg11[%rem3A_157] : memref<4x!tpu.dma_semaphore, #tpu.memory_space<semaphore_mem>> -> memref<1x!tpu.dma_semaphore, #tpu.memory_space<semaphore_mem>>
      %dma_wait3A_167 = tpu.memref_squeeze %dma_wait3A_166 : memref<1x!tpu.dma_semaphore, #tpu.memory_space<semaphore_mem>> -> memref<!tpu.dma_semaphore, #tpu.memory_space<semaphore_mem>>
      %dma_wait3A_168 = arith.constant 0 : i32
      %dma_wait3A_169 = arith.constant 0 : i32
      %dma_wait3A_170 = tpu.memref_slice %arg6[%rem3A_157, %dma_wait3A_168, %dma_wait3A_169] : memref<4x64x4096xf32, #tpu.memory_space<vmem>> -> memref<1x64x4096xf32, #tpu.memory_space<vmem>>
      %dma_wait3A_171 = tpu.memref_squeeze %dma_wait3A_170 : memref<1x64x4096xf32, #tpu.memory_space<vmem>> -> memref<64x4096xf32, #tpu.memory_space<vmem>>
      %dma_wait3A_172 = arith.constant 0 : i32
      %dma_wait3A_173 = tpu.memref_slice %arg1[%dma_wait3A_172, %mul3A_165] : memref<64x100000xf32, #tpu.memory_space<any>> -> memref<64x4096xf32, #tpu.memory_space<any>>
      tpu.wait_dma2 semaphore(%dma_wait3A_167 : memref<!tpu.dma_semaphore, #tpu.memory_space<semaphore_mem>>) src(%dma_wait3A_173 : memref<64x4096xf32, #tpu.memory_space<any>>) dst(%dma_wait3A_171 : memref<64x4096xf32, #tpu.memory_space<vmem>>)
      %ge3A = arith.constant 3 : i32
      %ge3A_174 = arith.cmpi sge, %scan3A_156, %ge3A : i32
      %convert_element_type3A_175 = arith.extui %ge3A_174 : i1 to i32
      %cond3A_176 = arith.constant 0 : i32
      %cond3A_177 = arith.cmpi ne, %convert_element_type3A_175, %cond3A_176 : i32
      scf.if %cond3A_177 {
        %sub3A = arith.constant 3 : i32
        %sub3A_213 = arith.subi %scan3A_156, %sub3A : i32
        %mul3A_214 = arith.constant 4096 : i32
        %mul3A_215 = arith.muli %sub3A_213, %mul3A_214 : i32
        %dma_wait3A_216 = tpu.memref_slice %arg12[%rem3A_159] : memref<3x!tpu.dma_semaphore, #tpu.memory_space<semaphore_mem>> -> memref<1x!tpu.dma_semaphore, #tpu.memory_space<semaphore_mem>>
        %dma_wait3A_217 = tpu.memref_squeeze %dma_wait3A_216 : memref<1x!tpu.dma_semaphore, #tpu.memory_space<semaphore_mem>> -> memref<!tpu.dma_semaphore, #tpu.memory_space<semaphore_mem>>
        %dma_wait3A_218 = arith.constant 0 : i32
        %dma_wait3A_219 = tpu.memref_slice %arg3[%dma_wait3A_218, %mul3A_215] : memref<1024x100000xf32, #tpu.memory_space<any>> -> memref<1024x4096xf32, #tpu.memory_space<any>>
        %dma_wait3A_220 = arith.constant 0 : i32
        %dma_wait3A_221 = arith.constant 0 : i32
        %dma_wait3A_222 = tpu.memref_slice %arg7[%rem3A_159, %dma_wait3A_220, %dma_wait3A_221] : memref<3x1024x4096xf32, #tpu.memory_space<vmem>> -> memref<1x1024x4096xf32, #tpu.memory_space<vmem>>
        %dma_wait3A_223 = tpu.memref_squeeze %dma_wait3A_222 : memref<1x1024x4096xf32, #tpu.memory_space<vmem>> -> memref<1024x4096xf32, #tpu.memory_space<vmem>>
        tpu.wait_dma2 semaphore(%dma_wait3A_217 : memref<!tpu.dma_semaphore, #tpu.memory_space<semaphore_mem>>) src(%dma_wait3A_223 : memref<1024x4096xf32, #tpu.memory_space<vmem>>) dst(%dma_wait3A_219 : memref<1024x4096xf32, #tpu.memory_space<any>>)
      } else {
      }
      %get3A_178 = arith.constant 0 : index
      %get3A_179 = arith.constant 0 : index
      %get3A_180 = vector.load %arg4[%get3A_178, %get3A_179] : memref<1024x64xf32, #tpu.memory_space<vmem>>, vector<1024x64xf32>
      %convert_element_type3A_181 = arith.truncf %get3A_180 : vector<1024x64xf32> to vector<1024x64xbf16>
      %get3A_182 = arith.index_cast %rem3A_157 : i32 to index
      %get3A_183 = arith.constant 0 : index
      %get3A_184 = arith.constant 0 : index
      %get3A_185 = vector.load %arg6[%get3A_182, %get3A_183, %get3A_184] : memref<4x64x4096xf32, #tpu.memory_space<vmem>>, vector<1x64x4096xf32>
      %get3A_186 = vector.shape_cast %get3A_185 : vector<1x64x4096xf32> to vector<64x4096xf32>
      %convert_element_type3A_187 = arith.truncf %get3A_186 : vector<64x4096xf32> to vector<64x4096xbf16>
      %dot_general3A_188 = arith.constant dense<0.000000e+00> : vector<1024x4096xf32>
      %dot_general3A_189 = tpu.matmul %convert_element_type3A_181, %convert_element_type3A_187, %dot_general3A_188 {dimension_numbers = #tpu.dot_dimension_numbers<[1], [0], [0], [1], [0, 0, 1, 1], [], []>, transpose_lhs_hint = false} : vector<1024x64xbf16>, vector<64x4096xbf16>, vector<1024x4096xf32> -> vector<1024x4096xf32>
      %mul3A_190 = arith.constant 4096 : i32
      %mul3A_191 = arith.muli %scan3A_156, %mul3A_190 : i32
      %get3A_192 = arith.index_cast %mul3A_191 : i32 to index
      %get3A_193 = vector.load %arg5[%get3A_192] : memref<102400xf32, #tpu.memory_space<vmem>>, vector<4096xf32>
      %reshape3A_194 = vector.shape_cast %get3A_193 : vector<4096xf32> to vector<1x4096xf32>
      %add3A_195 = vector.broadcast %reshape3A_194 : vector<1x4096xf32> to vector<1024x4096xf32>
      %add3A_196 = arith.addf %dot_general3A_189, %add3A_195 : vector<1024x4096xf32>
      %swap3A_197 = arith.index_cast %rem3A_159 : i32 to index
      %swap3A_198 = arith.constant 0 : index
      %swap3A_199 = arith.constant 0 : index
      %swap3A_200 = vector.load %arg7[%swap3A_197, %swap3A_198, %swap3A_199] : memref<3x1024x4096xf32, #tpu.memory_space<vmem>>, vector<1x1024x4096xf32>
      %swap3A_201 = vector.shape_cast %swap3A_200 : vector<1x1024x4096xf32> to vector<1024x4096xf32>
      %swap3A_202 = vector.shape_cast %add3A_196 : vector<1024x4096xf32> to vector<1x1024x4096xf32>
      tpu.vector_store %arg7[%swap3A_197, %swap3A_198, %swap3A_199], %swap3A_202 {strides = array<i32>} : memref<3x1024x4096xf32, #tpu.memory_space<vmem>>, vector<1x1024x4096xf32>,
      %mul3A_203 = arith.constant 4096 : i32
      %mul3A_204 = arith.muli %scan3A_156, %mul3A_203 : i32
      %dma_start3A_205 = tpu.memref_slice %arg12[%rem3A_159] : memref<3x!tpu.dma_semaphore, #tpu.memory_space<semaphore_mem>> -> memref<1x!tpu.dma_semaphore, #tpu.memory_space<semaphore_mem>>
      %dma_start3A_206 = tpu.memref_squeeze %dma_start3A_205 : memref<1x!tpu.dma_semaphore, #tpu.memory_space<semaphore_mem>> -> memref<!tpu.dma_semaphore, #tpu.memory_space<semaphore_mem>>
      %dma_start3A_207 = arith.constant 0 : i32
      %dma_start3A_208 = tpu.memref_slice %arg3[%dma_start3A_207, %mul3A_204] : memref<1024x100000xf32, #tpu.memory_space<any>> -> memref<1024x4096xf32, #tpu.memory_space<any>>
      %dma_start3A_209 = arith.constant 0 : i32
      %dma_start3A_210 = arith.constant 0 : i32
      %dma_start3A_211 = tpu.memref_slice %arg7[%rem3A_159, %dma_start3A_209, %dma_start3A_210] : memref<3x1024x4096xf32, #tpu.memory_space<vmem>> -> memref<1x1024x4096xf32, #tpu.memory_space<vmem>>
      %dma_start3A_212 = tpu.memref_squeeze %dma_start3A_211 : memref<1x1024x4096xf32, #tpu.memory_space<vmem>> -> memref<1024x4096xf32, #tpu.memory_space<vmem>>
      tpu.enqueue_dma source(%dma_start3A_212 : memref<1024x4096xf32, #tpu.memory_space<vmem>>) target(%dma_start3A_208 : memref<1024x4096xf32, #tpu.memory_space<any>>) target_semaphore(%dma_start3A_206 : memref<!tpu.dma_semaphore, #tpu.memory_space<semaphore_mem>>)
    }
    %scan3A_24 = arith.constant 24 : i32
    %dma_wait3A = arith.constant 0 : i32
    %dma_wait3A_25 = arith.constant 0 : i32
    %dma_wait3A_26 = tpu.memref_slice %arg12[%dma_wait3A_25] : memref<3x!tpu.dma_semaphore, #tpu.memory_space<semaphore_mem>> -> memref<1x!tpu.dma_semaphore, #tpu.memory_space<semaphore_mem>>
    %dma_wait3A_27 = tpu.memref_squeeze %dma_wait3A_26 : memref<1x!tpu.dma_semaphore, #tpu.memory_space<semaphore_mem>> -> memref<!tpu.dma_semaphore, #tpu.memory_space<semaphore_mem>>
    %dma_wait3A_28 = arith.constant 0 : i32
    %dma_wait3A_29 = arith.constant 86016 : i32
    %dma_wait3A_30 = tpu.memref_slice %arg3[%dma_wait3A_28, %dma_wait3A_29] : memref<1024x100000xf32, #tpu.memory_space<any>> -> memref<1024x4096xf32, #tpu.memory_space<any>>
    %dma_wait3A_31 = arith.constant 0 : i32
    %dma_wait3A_32 = arith.constant 0 : i32
    %dma_wait3A_33 = tpu.memref_slice %arg7[%dma_wait3A, %dma_wait3A_31, %dma_wait3A_32] : memref<3x1024x4096xf32, #tpu.memory_space<vmem>> -> memref<1x1024x4096xf32, #tpu.memory_space<vmem>>
    %dma_wait3A_34 = tpu.memref_squeeze %dma_wait3A_33 : memref<1x1024x4096xf32, #tpu.memory_space<vmem>> -> memref<1024x4096xf32, #tpu.memory_space<vmem>>
    tpu.wait_dma2 semaphore(%dma_wait3A_27 : memref<!tpu.dma_semaphore, #tpu.memory_space<semaphore_mem>>) src(%dma_wait3A_34 : memref<1024x4096xf32, #tpu.memory_space<vmem>>) dst(%dma_wait3A_30 : memref<1024x4096xf32, #tpu.memory_space<any>>)
    %dma_start3A_35 = arith.constant 0 : i32
    %dma_start3A_36 = arith.constant 0 : i32
    %dma_start3A_37 = tpu.memref_slice %arg11[%dma_start3A_36] : memref<4x!tpu.dma_semaphore, #tpu.memory_space<semaphore_mem>> -> memref<1x!tpu.dma_semaphore, #tpu.memory_space<semaphore_mem>>
    %dma_start3A_38 = tpu.memref_squeeze %dma_start3A_37 : memref<1x!tpu.dma_semaphore, #tpu.memory_space<semaphore_mem>> -> memref<!tpu.dma_semaphore, #tpu.memory_space<semaphore_mem>>
    %dma_start3A_39 = arith.constant 0 : i32
    %dma_start3A_40 = arith.constant 0 : i32
    %dma_start3A_41 = tpu.memref_slice %arg6[%dma_start3A_35, %dma_start3A_39, %dma_start3A_40] : memref<4x64x4096xf32, #tpu.memory_space<vmem>> -> memref<1x64x1664xf32, #tpu.memory_space<vmem>>
    %dma_start3A_42 = tpu.memref_squeeze %dma_start3A_41 : memref<1x64x1664xf32, #tpu.memory_space<vmem>> -> memref<64x1664xf32, #tpu.memory_space<vmem>>
    %dma_start3A_43 = arith.constant 0 : i32
    %dma_start3A_44 = arith.constant 98304 : i32
    %dma_start3A_45 = tpu.memref_slice %arg1[%dma_start3A_43, %dma_start3A_44] : memref<64x100000xf32, #tpu.memory_space<any>> -> memref<64x1664xf32, #tpu.memory_space<any>>
    tpu.enqueue_dma source(%dma_start3A_45 : memref<64x1664xf32, #tpu.memory_space<any>>) target(%dma_start3A_42 : memref<64x1664xf32, #tpu.memory_space<vmem>>) target_semaphore(%dma_start3A_38 : memref<!tpu.dma_semaphore, #tpu.memory_space<semaphore_mem>>)
    %dma_start3A_46 = arith.constant 1 : i32
    %dma_start3A_47 = tpu.memref_slice %arg11[%dma_start3A_46] : memref<4x!tpu.dma_semaphore, #tpu.memory_space<semaphore_mem>> -> memref<1x!tpu.dma_semaphore, #tpu.memory_space<semaphore_mem>>
    %dma_start3A_48 = tpu.memref_squeeze %dma_start3A_47 : memref<1x!tpu.dma_semaphore, #tpu.memory_space<semaphore_mem>> -> memref<!tpu.dma_semaphore, #tpu.memory_space<semaphore_mem>>
    %dma_start3A_49 = arith.constant 0 : i32
    %dma_start3A_50 = arith.constant 99968 : i32
    %dma_start3A_51 = tpu.memref_slice %arg1[%dma_start3A_49, %dma_start3A_50] : memref<64x100000xf32, #tpu.memory_space<any>> -> memref<64x32xf32, #tpu.memory_space<any>>
    tpu.enqueue_dma source(%dma_start3A_51 : memref<64x32xf32, #tpu.memory_space<any>>) target(%arg8 : memref<64x32xf32, #tpu.memory_space<vmem>>) target_semaphore(%dma_start3A_48 : memref<!tpu.dma_semaphore, #tpu.memory_space<semaphore_mem>>)
    %dma_wait3A_52 = arith.constant 0 : i32
    %dma_wait3A_53 = arith.constant 0 : i32
    %dma_wait3A_54 = tpu.memref_slice %arg11[%dma_wait3A_53] : memref<4x!tpu.dma_semaphore, #tpu.memory_space<semaphore_mem>> -> memref<1x!tpu.dma_semaphore, #tpu.memory_space<semaphore_mem>>
    %dma_wait3A_55 = tpu.memref_squeeze %dma_wait3A_54 : memref<1x!tpu.dma_semaphore, #tpu.memory_space<semaphore_mem>> -> memref<!tpu.dma_semaphore, #tpu.memory_space<semaphore_mem>>
    %dma_wait3A_56 = arith.constant 0 : i32
    %dma_wait3A_57 = arith.constant 0 : i32
    %dma_wait3A_58 = tpu.memref_slice %arg6[%dma_wait3A_52, %dma_wait3A_56, %dma_wait3A_57] : memref<4x64x4096xf32, #tpu.memory_space<vmem>> -> memref<1x64x1664xf32, #tpu.memory_space<vmem>>
    %dma_wait3A_59 = tpu.memref_squeeze %dma_wait3A_58 : memref<1x64x1664xf32, #tpu.memory_space<vmem>> -> memref<64x1664xf32, #tpu.memory_space<vmem>>
    %dma_wait3A_60 = arith.constant 0 : i32
    %dma_wait3A_61 = arith.constant 98304 : i32
    %dma_wait3A_62 = tpu.memref_slice %arg1[%dma_wait3A_60, %dma_wait3A_61] : memref<64x100000xf32, #tpu.memory_space<any>> -> memref<64x1664xf32, #tpu.memory_space<any>>
    tpu.wait_dma2 semaphore(%dma_wait3A_55 : memref<!tpu.dma_semaphore, #tpu.memory_space<semaphore_mem>>) src(%dma_wait3A_62 : memref<64x1664xf32, #tpu.memory_space<any>>) dst(%dma_wait3A_59 : memref<64x1664xf32, #tpu.memory_space<vmem>>)
    %dma_wait3A_63 = arith.constant 1 : i32
    %dma_wait3A_64 = tpu.memref_slice %arg11[%dma_wait3A_63] : memref<4x!tpu.dma_semaphore, #tpu.memory_space<semaphore_mem>> -> memref<1x!tpu.dma_semaphore, #tpu.memory_space<semaphore_mem>>
    %dma_wait3A_65 = tpu.memref_squeeze %dma_wait3A_64 : memref<1x!tpu.dma_semaphore, #tpu.memory_space<semaphore_mem>> -> memref<!tpu.dma_semaphore, #tpu.memory_space<semaphore_mem>>
    %dma_wait3A_66 = arith.constant 0 : i32
    %dma_wait3A_67 = arith.constant 99968 : i32
    %dma_wait3A_68 = tpu.memref_slice %arg1[%dma_wait3A_66, %dma_wait3A_67] : memref<64x100000xf32, #tpu.memory_space<any>> -> memref<64x32xf32, #tpu.memory_space<any>>
    tpu.wait_dma2 semaphore(%dma_wait3A_65 : memref<!tpu.dma_semaphore, #tpu.memory_space<semaphore_mem>>) src(%dma_wait3A_68 : memref<64x32xf32, #tpu.memory_space<any>>) dst(%arg8 : memref<64x32xf32, #tpu.memory_space<vmem>>)
    %get3A = arith.constant 0 : index
    %get3A_69 = arith.constant 0 : index
    %get3A_70 = vector.load %arg4[%get3A, %get3A_69] : memref<1024x64xf32, #tpu.memory_space<vmem>>, vector<1024x64xf32>
    %convert_element_type3A = arith.truncf %get3A_70 : vector<1024x64xf32> to vector<1024x64xbf16>
    %get3A_71 = arith.constant 0 : index
    %get3A_72 = arith.constant 0 : index
    %get3A_73 = arith.constant 0 : index
    %get3A_74 = vector.load %arg6[%get3A_71, %get3A_72, %get3A_73] : memref<4x64x4096xf32, #tpu.memory_space<vmem>>, vector<1x64x4096xf32>
    %get3A_75 = vector.shape_cast %get3A_74 : vector<1x64x4096xf32> to vector<64x4096xf32>
    %convert_element_type3A_76 = arith.truncf %get3A_75 : vector<64x4096xf32> to vector<64x4096xbf16>
    %dot_general3A = arith.constant dense<0.000000e+00> : vector<1024x4096xf32>
    %dot_general3A_77 = tpu.matmul %convert_element_type3A, %convert_element_type3A_76, %dot_general3A {dimension_numbers = #tpu.dot_dimension_numbers<[1], [0], [0], [1], [0, 0, 1, 1], [], []>, transpose_lhs_hint = false} : vector<1024x64xbf16>, vector<64x4096xbf16>, vector<1024x4096xf32> -> vector<1024x4096xf32>
    %get3A_78 = arith.constant 98304 : index
    %get3A_79 = vector.load %arg5[%get3A_78] : memref<102400xf32, #tpu.memory_space<vmem>>, vector<4096xf32>
    %reshape3A = vector.shape_cast %get3A_79 : vector<4096xf32> to vector<1x4096xf32>
    %add3A = vector.broadcast %reshape3A : vector<1x4096xf32> to vector<1024x4096xf32>
    %add3A_80 = arith.addf %dot_general3A_77, %add3A : vector<1024x4096xf32>
    %swap3A = arith.constant 0 : index
    %swap3A_81 = arith.constant 0 : index
    %swap3A_82 = arith.constant 0 : index
    %swap3A_83 = vector.load %arg7[%swap3A, %swap3A_81, %swap3A_82] : memref<3x1024x4096xf32, #tpu.memory_space<vmem>>, vector<1x1024x4096xf32>
    %swap3A_84 = vector.shape_cast %swap3A_83 : vector<1x1024x4096xf32> to vector<1024x4096xf32>
    %swap3A_85 = vector.shape_cast %add3A_80 : vector<1024x4096xf32> to vector<1x1024x4096xf32>
    tpu.vector_store %arg7[%swap3A, %swap3A_81, %swap3A_82], %swap3A_85 {strides = array<i32>} : memref<3x1024x4096xf32, #tpu.memory_space<vmem>>, vector<1x1024x4096xf32>,
    %dma_start3A_86 = arith.constant 0 : i32
    %dma_start3A_87 = arith.constant 0 : i32
    %dma_start3A_88 = tpu.memref_slice %arg12[%dma_start3A_87] : memref<3x!tpu.dma_semaphore, #tpu.memory_space<semaphore_mem>> -> memref<1x!tpu.dma_semaphore, #tpu.memory_space<semaphore_mem>>
    %dma_start3A_89 = tpu.memref_squeeze %dma_start3A_88 : memref<1x!tpu.dma_semaphore, #tpu.memory_space<semaphore_mem>> -> memref<!tpu.dma_semaphore, #tpu.memory_space<semaphore_mem>>
    %dma_start3A_90 = arith.constant 0 : i32
    %dma_start3A_91 = arith.constant 98304 : i32
    %dma_start3A_92 = tpu.memref_slice %arg3[%dma_start3A_90, %dma_start3A_91] : memref<1024x100000xf32, #tpu.memory_space<any>> -> memref<1024x1664xf32, #tpu.memory_space<any>>
    %dma_start3A_93 = arith.constant 0 : i32
    %dma_start3A_94 = arith.constant 0 : i32
    %dma_start3A_95 = tpu.memref_slice %arg7[%dma_start3A_86, %dma_start3A_93, %dma_start3A_94] : memref<3x1024x4096xf32, #tpu.memory_space<vmem>> -> memref<1x1024x1664xf32, #tpu.memory_space<vmem>>
    %dma_start3A_96 = tpu.memref_squeeze %dma_start3A_95 : memref<1x1024x1664xf32, #tpu.memory_space<vmem>> -> memref<1024x1664xf32, #tpu.memory_space<vmem>>
    tpu.enqueue_dma source(%dma_start3A_96 : memref<1024x1664xf32, #tpu.memory_space<vmem>>) target(%dma_start3A_92 : memref<1024x1664xf32, #tpu.memory_space<any>>) target_semaphore(%dma_start3A_89 : memref<!tpu.dma_semaphore, #tpu.memory_space<semaphore_mem>>)
    %get3A_97 = arith.constant 0 : index
    %get3A_98 = arith.constant 0 : index
    %get3A_99 = vector.load %arg8[%get3A_97, %get3A_98] : memref<64x32xf32, #tpu.memory_space<vmem>>, vector<64x32xf32>
    %convert_element_type3A_100 = arith.truncf %get3A_99 : vector<64x32xf32> to vector<64x32xbf16>
    %dot_general3A_101 = arith.constant dense<0.000000e+00> : vector<1024x32xf32>
    %dot_general3A_102 = tpu.matmul %convert_element_type3A, %convert_element_type3A_100, %dot_general3A_101 {dimension_numbers = #tpu.dot_dimension_numbers<[1], [0], [0], [1], [0, 0, 1, 1], [], []>, transpose_lhs_hint = false} : vector<1024x64xbf16>, vector<64x32xbf16>, vector<1024x32xf32> -> vector<1024x32xf32>
    %get3A_103 = arith.constant 99968 : index
    %get3A_104 = vector.load %arg5[%get3A_103] : memref<102400xf32, #tpu.memory_space<vmem>>, vector<128xf32>
    %slice3A = vector.extract_strided_slice %get3A_104 {offsets = [0], sizes = [32], strides = [1]} : vector<128xf32> to vector<32xf32>
    %reshape3A_105 = vector.shape_cast %slice3A : vector<32xf32> to vector<1x32xf32>
    %add3A_106 = vector.broadcast %reshape3A_105 : vector<1x32xf32> to vector<1024x32xf32>
    %add3A_107 = arith.addf %dot_general3A_102, %add3A_106 : vector<1024x32xf32>
    %swap3A_108 = arith.constant 0 : index
    %swap3A_109 = arith.constant 0 : index
    %swap3A_110 = vector.load %arg9[%swap3A_108, %swap3A_109] : memref<1024x32xf32, #tpu.memory_space<vmem>>, vector<1024x32xf32>
    tpu.vector_store %arg9[%swap3A_108, %swap3A_109], %add3A_107 {strides = array<i32>} : memref<1024x32xf32, #tpu.memory_space<vmem>>, vector<1024x32xf32>,
    %dma_start3A_111 = arith.constant 1 : i32
    %dma_start3A_112 = tpu.memref_slice %arg12[%dma_start3A_111] : memref<3x!tpu.dma_semaphore, #tpu.memory_space<semaphore_mem>> -> memref<1x!tpu.dma_semaphore, #tpu.memory_space<semaphore_mem>>
    %dma_start3A_113 = tpu.memref_squeeze %dma_start3A_112 : memref<1x!tpu.dma_semaphore, #tpu.memory_space<semaphore_mem>> -> memref<!tpu.dma_semaphore, #tpu.memory_space<semaphore_mem>>
    %dma_start3A_114 = arith.constant 0 : i32
    %dma_start3A_115 = arith.constant 99968 : i32
    %dma_start3A_116 = tpu.memref_slice %arg3[%dma_start3A_114, %dma_start3A_115] : memref<1024x100000xf32, #tpu.memory_space<any>> -> memref<1024x32xf32, #tpu.memory_space<any>>
    tpu.enqueue_dma source(%arg9 : memref<1024x32xf32, #tpu.memory_space<vmem>>) target(%dma_start3A_116 : memref<1024x32xf32, #tpu.memory_space<any>>) target_semaphore(%dma_start3A_113 : memref<!tpu.dma_semaphore, #tpu.memory_space<semaphore_mem>>)
    %dma_wait3A_117 = arith.constant 1 : i32
    %dma_wait3A_118 = arith.constant 1 : i32
    %dma_wait3A_119 = tpu.memref_slice %arg12[%dma_wait3A_118] : memref<3x!tpu.dma_semaphore, #tpu.memory_space<semaphore_mem>> -> memref<1x!tpu.dma_semaphore, #tpu.memory_space<semaphore_mem>>
    %dma_wait3A_120 = tpu.memref_squeeze %dma_wait3A_119 : memref<1x!tpu.dma_semaphore, #tpu.memory_space<semaphore_mem>> -> memref<!tpu.dma_semaphore, #tpu.memory_space<semaphore_mem>>
    %dma_wait3A_121 = arith.constant 0 : i32
    %dma_wait3A_122 = arith.constant 90112 : i32
    %dma_wait3A_123 = tpu.memref_slice %arg3[%dma_wait3A_121, %dma_wait3A_122] : memref<1024x100000xf32, #tpu.memory_space<any>> -> memref<1024x4096xf32, #tpu.memory_space<any>>
    %dma_wait3A_124 = arith.constant 0 : i32
    %dma_wait3A_125 = arith.constant 0 : i32
    %dma_wait3A_126 = tpu.memref_slice %arg7[%dma_wait3A_117, %dma_wait3A_124, %dma_wait3A_125] : memref<3x1024x4096xf32, #tpu.memory_space<vmem>> -> memref<1x1024x4096xf32, #tpu.memory_space<vmem>>
    %dma_wait3A_127 = tpu.memref_squeeze %dma_wait3A_126 : memref<1x1024x4096xf32, #tpu.memory_space<vmem>> -> memref<1024x4096xf32, #tpu.memory_space<vmem>>
    tpu.wait_dma2 semaphore(%dma_wait3A_120 : memref<!tpu.dma_semaphore, #tpu.memory_space<semaphore_mem>>) src(%dma_wait3A_127 : memref<1024x4096xf32, #tpu.memory_space<vmem>>) dst(%dma_wait3A_123 : memref<1024x4096xf32, #tpu.memory_space<any>>)
    %dma_wait3A_128 = arith.constant 2 : i32
    %dma_wait3A_129 = arith.constant 2 : i32
    %dma_wait3A_130 = tpu.memref_slice %arg12[%dma_wait3A_129] : memref<3x!tpu.dma_semaphore, #tpu.memory_space<semaphore_mem>> -> memref<1x!tpu.dma_semaphore, #tpu.memory_space<semaphore_mem>>
    %dma_wait3A_131 = tpu.memref_squeeze %dma_wait3A_130 : memref<1x!tpu.dma_semaphore, #tpu.memory_space<semaphore_mem>> -> memref<!tpu.dma_semaphore, #tpu.memory_space<semaphore_mem>>
    %dma_wait3A_132 = arith.constant 0 : i32
    %dma_wait3A_133 = arith.constant 94208 : i32
    %dma_wait3A_134 = tpu.memref_slice %arg3[%dma_wait3A_132, %dma_wait3A_133] : memref<1024x100000xf32, #tpu.memory_space<any>> -> memref<1024x4096xf32, #tpu.memory_space<any>>
    %dma_wait3A_135 = arith.constant 0 : i32
    %dma_wait3A_136 = arith.constant 0 : i32
    %dma_wait3A_137 = tpu.memref_slice %arg7[%dma_wait3A_128, %dma_wait3A_135, %dma_wait3A_136] : memref<3x1024x4096xf32, #tpu.memory_space<vmem>> -> memref<1x1024x4096xf32, #tpu.memory_space<vmem>>
    %dma_wait3A_138 = tpu.memref_squeeze %dma_wait3A_137 : memref<1x1024x4096xf32, #tpu.memory_space<vmem>> -> memref<1024x4096xf32, #tpu.memory_space<vmem>>
    tpu.wait_dma2 semaphore(%dma_wait3A_131 : memref<!tpu.dma_semaphore, #tpu.memory_space<semaphore_mem>>) src(%dma_wait3A_138 : memref<1024x4096xf32, #tpu.memory_space<vmem>>) dst(%dma_wait3A_134 : memref<1024x4096xf32, #tpu.memory_space<any>>)
    %dma_wait3A_139 = arith.constant 0 : i32
    %dma_wait3A_140 = arith.constant 0 : i32
    %dma_wait3A_141 = tpu.memref_slice %arg12[%dma_wait3A_140] : memref<3x!tpu.dma_semaphore, #tpu.memory_space<semaphore_mem>> -> memref<1x!tpu.dma_semaphore, #tpu.memory_space<semaphore_mem>>
    %dma_wait3A_142 = tpu.memref_squeeze %dma_wait3A_141 : memref<1x!tpu.dma_semaphore, #tpu.memory_space<semaphore_mem>> -> memref<!tpu.dma_semaphore, #tpu.memory_space<semaphore_mem>>
    %dma_wait3A_143 = arith.constant 0 : i32
    %dma_wait3A_144 = arith.constant 98304 : i32
    %dma_wait3A_145 = tpu.memref_slice %arg3[%dma_wait3A_143, %dma_wait3A_144] : memref<1024x100000xf32, #tpu.memory_space<any>> -> memref<1024x1664xf32, #tpu.memory_space<any>>
    %dma_wait3A_146 = arith.constant 0 : i32
    %dma_wait3A_147 = arith.constant 0 : i32
    %dma_wait3A_148 = tpu.memref_slice %arg7[%dma_wait3A_139, %dma_wait3A_146, %dma_wait3A_147] : memref<3x1024x4096xf32, #tpu.memory_space<vmem>> -> memref<1x1024x1664xf32, #tpu.memory_space<vmem>>
    %dma_wait3A_149 = tpu.memref_squeeze %dma_wait3A_148 : memref<1x1024x1664xf32, #tpu.memory_space<vmem>> -> memref<1024x1664xf32, #tpu.memory_space<vmem>>
    tpu.wait_dma2 semaphore(%dma_wait3A_142 : memref<!tpu.dma_semaphore, #tpu.memory_space<semaphore_mem>>) src(%dma_wait3A_149 : memref<1024x1664xf32, #tpu.memory_space<vmem>>) dst(%dma_wait3A_145 : memref<1024x1664xf32, #tpu.memory_space<any>>)
    %dma_wait3A_150 = arith.constant 1 : i32
    %dma_wait3A_151 = tpu.memref_slice %arg12[%dma_wait3A_150] : memref<3x!tpu.dma_semaphore, #tpu.memory_space<semaphore_mem>> -> memref<1x!tpu.dma_semaphore, #tpu.memory_space<semaphore_mem>>
    %dma_wait3A_152 = tpu.memref_squeeze %dma_wait3A_151 : memref<1x!tpu.dma_semaphore, #tpu.memory_space<semaphore_mem>> -> memref<!tpu.dma_semaphore, #tpu.memory_space<semaphore_mem>>
    %dma_wait3A_153 = arith.constant 0 : i32
    %dma_wait3A_154 = arith.constant 99968 : i32
    %dma_wait3A_155 = tpu.memref_slice %arg3[%dma_wait3A_153, %dma_wait3A_154] : memref<1024x100000xf32, #tpu.memory_space<any>> -> memref<1024x32xf32, #tpu.memory_space<any>>
    tpu.wait_dma2 semaphore(%dma_wait3A_152 : memref<!tpu.dma_semaphore, #tpu.memory_space<semaphore_mem>>) src(%arg9 : memref<1024x32xf32, #tpu.memory_space<vmem>>) dst(%dma_wait3A_155 : memref<1024x32xf32, #tpu.memory_space<any>>)
    return
  }
}

</mosaic_0001>

<sc_bundles>
// kernel: kernel.4.cloned.1.call-start
scs
__scs_entry_jumppad:
0x0: {  	(pc) =	sbr.rel $0x88, $3  }
0x1: {  	(tag) =	ssettag $0x0;
	lr =	simm.s32 $0x1  }
0x2: {  	[smem:$0x3F9D] =	sst lr;
	_ =	strace $0xD0000000  }
0x3: {  	_ = 	snop  }
0x4: {  	_ = 	snop  }
0x5: {  	_ = 	snop  }
0x6: {  	_ = 	snop  }
0x7: {  	_ = 	snop  }
__scs_overlays_trampoline_lowered:
0x8: {  	[smem:$0x3FAC] =	sst s0  }
0x9: {  	[smem:$0x3FAD] =	sst s1  }
0xa: {  	[smem:$0x3FAE] =	sst s2  }
0xb: {  	[smem:$0x3FAF] =	sst s3  }
0xc: {  	[smem:$0x3FB0] =	sst s4  }
0xd: {  	[smem:$0x3FB1] =	sst s5  }
0xe: {  	[smem:$0x3FB2] =	sst s6  }
0xf: {  	[smem:$0x3FB3] =	sst s7  }
0x10: {  	[smem:$0x3FB4] =	sst s8  }
0x11: {  	[smem:$0x3FB5] =	sst s9;
	s0 =	simm.s32 @!p0 $0x0  }
0x12: {  	s1 =	sld [smem:$0x3F9B];
	s0 =	simm.s32 @p0 $0x1  }
0x13: {  	[smem:$0x3FB6] =	sst s0;
	s0 =	simm.s32 @!p1 $0x0  }
0x14: {  	s2 =	sld [smem:$0x3F9A];
	s0 =	simm.s32 @p1 $0x1  }
0x15: {  	[smem:$0x3FB7] =	sst s0;
	s0 =	simm.s32 @!p2 $0x0  }
0x16: {  	s3 =	sld [smem:$0x3FDB];
	s0 =	simm.s32 @p2 $0x1  }
0x17: {  	s4 =	simm.s32 $0x1BF5;
	[smem:$0x3FB9] =	sst s0  }
0x18: {  	s0 =	sld [smem:$0x3F9C];
	_ =	swait.ge [sflag:s4], $0x0  }
0x19: {  	s7 =	sld [smem:$0x3F9D]  }
0x1a: {  	s8 =	sadd.s32 $0xFFFFE003, lr  }
0x1b: {  	s9 =	sadd.s32 $0xFFFFFEF7, lr;
	s5 =	simm.s32 $0xFFFFFFFF;
	p2 =	slt.u32 s8, $0xFFFFF086  }
0x1c: {  	p1 =	slt.u32 s9, $0xF7A;
	s5 =	simm.s32 @!p2 $0x0  }
0x1d: {  	s5 =	simm.s32 @p1 $0x1;
	p0 =	seq.s32 s7, s2  }
0x1e: {  	s7 =	smul.u32 @!p0 $0xF7A, s2;
	p2 =	seq.s32 @!p0 s5, $0x0  }
0x1f: {  	s9 =	smul.u32 $0xF7A, s1;
	s8 =	simm.s32 @!p0 $0x1BF5;
	p2 =	por !p2, p0  }
0x20: {  	[sflag:s8] =	ssyncset.s32 @!p0 $0xFFFFF086;
	s6 =	sadd.s32 @!p0 s3, s7;
	s7 =	simm.s32 @!p0 $0x108  }
0x21: {  	s3 =	sadd.s32 s3, s9;
	s6 =	sadd.s32 @!p0 $0x88, s6;
	s7 =	simm.s32 @p2 $0x1082  }
0x22: {  	[simem:s7], [sflag:s8] =	dma.local @!p0 [hbm:s6], $0xF7A  }
0x23: {  	s9 =	sor.u32 $0xD0000000, s2;
	s6 =	simm.s32 $0x108;
	_ =	swait.ge @!p0 [sflag:s8], $0x0  }
0x24: {  	s3 =	sadd.s32 $0x88, s3;
	s6 =	simm.s32 @!p1 $0x1082;
	[sflag:s4] =	ssyncset.s32 $0xFFFFF086  }
0x25: {  	[simem:s6], [sflag:s4] =	dma.local [hbm:s3], $0xF7A  }
0x26: {  	[smem:$0x3F9D] =	sst s1;
	(tag) =	ssettag s2;
	_ =	strace s9  }
0x27: {  	s1 =	sld [smem:$0x3FAD]  }
0x28: {  	s2 =	sld [smem:$0x3FAE]  }
0x29: {  	s4 =	sld [smem:$0x3FB0]  }
0x2a: {  	p0 =	seq.s32 s5, $0x0;
	s5 =	sld [smem:$0x3FB1]  }
0x2b: {  	s6 =	sld [smem:$0x3FB2]  }
0x2c: {  	s7 =	sld [smem:$0x3FB3]  }
0x2d: {  	s3 =	simm.s32 $0x108;
	s8 =	sld [smem:$0x3FB4]  }
0x2e: {  	s3 =	simm.s32 @!p0 $0x1082;
	s9 =	sld [smem:$0x3FB5]  }
0x2f: {  	lr =	sadd.s32 s0, s3;
	s0 =	sld [smem:$0x3FAC]  }
0x30: {  	s3 =	sld [smem:$0x3FAF]  }
0x31: {  	[smem:$0x3FB8] =	sst s10  }
0x32: {  	s10 =	sld [smem:$0x3FB6];
	_ =	sdelay $0x3  }
0x33: {  	p0 =	seq.s32 s10, $0x1;
	s10 =	sld [smem:$0x3FB8];
	_ =	sdelay $0x3  }
0x34: {  	[smem:$0x3FB8] =	sst s10  }
0x35: {  	s10 =	sld [smem:$0x3FB7];
	_ =	sdelay $0x3  }
0x36: {  	p1 =	seq.s32 s10, $0x1;
	s10 =	sld [smem:$0x3FB8];
	_ =	sdelay $0x3  }
0x37: {  	[smem:$0x3FB8] =	sst s10  }
0x38: {  	s10 =	sld [smem:$0x3FB9]  }
0x39: {  	_ = 	snop;
	(pc) =	sbr.ind lr, $3  }
0x3a: {  	_ = 	snop  }
0x3b: {  	_ = 	snop  }
0x3c: {  	p2 =	seq.s32 s10, $0x1;
	s10 =	sld [smem:$0x3FB8]  }
0x3d: {  	_ =	shalt  }
0x3e: {  	_ =	shalt  }
0x3f: {  	_ =	shalt  }
0x40: {  	_ =	shalt  }
0x41: {  	_ =	shalt  }
0x42: {  	_ =	shalt  }
0x43: {  	_ =	shalt  }
0x44: {  	_ =	shalt  }
0x45: {  	_ =	shalt  }
0x46: {  	_ =	shalt  }
0x47: {  	_ =	shalt  }
0x48: {  	_ =	shalt  }
0x49: {  	_ =	shalt  }
0x4a: {  	_ =	shalt  }
0x4b: {  	_ =	shalt  }
0x4c: {  	_ =	shalt  }
0x4d: {  	_ =	shalt  }
0x4e: {  	_ =	shalt  }
0x4f: {  	_ =	shalt  }
0x50: {  	_ =	shalt  }
0x51: {  	_ =	shalt  }
0x52: {  	_ =	shalt  }
0x53: {  	_ =	shalt  }
0x54: {  	_ =	shalt  }
0x55: {  	_ =	shalt  }
0x56: {  	_ =	shalt  }
0x57: {  	_ =	shalt  }
0x58: {  	_ =	shalt  }
0x59: {  	_ =	shalt  }
0x5a: {  	_ =	shalt  }
0x5b: {  	_ =	shalt  }
0x5c: {  	_ =	shalt  }
0x5d: {  	_ =	shalt  }
0x5e: {  	_ =	shalt  }
0x5f: {  	_ =	shalt  }
0x60: {  	_ =	shalt  }
0x61: {  	_ =	shalt  }
0x62: {  	_ =	shalt  }
0x63: {  	_ =	shalt  }
0x64: {  	_ =	shalt  }
0x65: {  	_ =	shalt  }
0x66: {  	_ =	shalt  }
0x67: {  	_ =	shalt  }
0x68: {  	_ =	shalt  }
0x69: {  	_ =	shalt  }
0x6a: {  	_ =	shalt  }
0x6b: {  	_ =	shalt  }
0x6c: {  	_ =	shalt  }
0x6d: {  	_ =	shalt  }
0x6e: {  	_ =	shalt  }
0x6f: {  	_ =	shalt  }
0x70: {  	_ =	shalt  }
0x71: {  	_ =	shalt  }
0x72: {  	_ =	shalt  }
0x73: {  	_ =	shalt  }
0x74: {  	_ =	shalt  }
0x75: {  	_ =	shalt  }
0x76: {  	_ =	shalt  }
0x77: {  	_ =	shalt  }
0x78: {  	_ =	shalt  }
0x79: {  	_ =	shalt  }
0x7a: {  	_ =	shalt  }
0x7b: {  	_ =	shalt  }
0x7c: {  	_ =	shalt  }
0x7d: {  	_ =	shalt  }
0x7e: {  	_ =	shalt  }
0x7f: {  	_ =	shalt  }
0x80: {  	_ =	shalt  }
0x81: {  	_ =	shalt  }
0x82: {  	_ =	shalt  }
0x83: {  	_ =	shalt  }
0x84: {  	_ =	shalt  }
0x85: {  	_ =	shalt  }
0x86: {  	_ =	shalt  }
0x87: {  	_ =	shalt  }
.Lfunc_end0:
.L_simem_size_0:
called_computation_lowered:
.L_overlay_start_0:
0x88: {  	s2 =	sld [smem:$0x3FD9]  }
0x89: {  	s3 =	sld [smem:$0x3FFE];
	_ =	sdelay $0x1  }
0x8a: {  	s1 =	srdreg.scid  }
0x8b: {  	s0 =	sand.u32 $0x1, s1  }
0x8c: {  	s16 =	sshll.u32 s0, $0xA;
	s2 =	sadd.s32 s3, s2  }
0x8d: {  	s2 =	sadd.s32 s2, s16  }
0x8e: {  	[smem:$0x3FC4] =	sst s2  }
0x8f: {  	_ = 	snop  }
0x90: {  	(tm) =	ssettm $0x1  }
0x91: {  	s17 =	sld [smem:$0x3FFB];
	_ =	sdelay $0x3  }
0x92: {  	_ =	strace s17  }
0x93: {  	s2 =	sld [smem:$0x3FFC];
	_ =	sdelay $0x3  }
0x94: {  	_ =	strace s2  }
0x95: {  	s2 =	sld [smem:$0x3FFD];
	_ =	sdelay $0x3  }
0x96: {  	_ =	strace s2  }
0x97: {  	_ =	strace $0x8FFFFFFF  }
0x98: {  	s18 =	sld [smem:$0x3FDB];
	_ =	sdelay $0x1  }
0x99: {  	s19 =	simm.s32 $_scs_section_size  }
0x9a: {  	s4 =	simm.s32 $_size__tile_overlayer_lowered;
	s5 =	simm.s32 $_tile_overlayer_lowered  }
0x9b: {  	s22 =	simm.s32 $0x1BFF;
	s21 =	sshll.u32 s5, $0x1;
	s2 =	sadd.s32 s19, s18  }
0x9c: {  	s6 =	simm.s32 $0x0;
	s20 =	sshll.u32 s4, $0x1;
	s4 =	sadd.s32 s21, s2  }
0x9d: {  	[timem:s6], [sflag:s22] =	dma.local [hbm:s4], s20  }
0x9e: {  	_ =	swait.ge [sflag:s22], s20  }
0x9f: {  	s3 =	ssub.s32 $0x0, s20;
	[sflag:s22] =	ssyncset.done $0x0  }
0xa0: {  	[sflag:s22] =	ssyncadd.s32 s3;
	_ =	sdelay $0x1  }
0xa1: {  	s23 =	simm.s32 $0x1B8B  }
0xa2: {  	_ =	swait.ge [sflag:s23], $0x1  }
0xa3: {  	[sflag:s23] =	ssyncset.done $0x0  }
0xa4: {  	s25 =	simm.s32 $0x1B8E;
	s24 =	sld [smem:$0x3FFE];
	[sflag:s23] =	ssyncadd.s32 $0xFFFFFFFF  }
0xa5: {  	s26 =	simm.s32 $execute0_lowered;
	[smem:$0x3FD2] =	sst s25  }
0xa6: {  	s4 =	sshll.u32 s26, $0x1;
	_ =	strace $0x80000046;
	[dreg:$0x1] =	wrdreg $0xFFFFFFFF  }
0xa7: {  	s28 =	simm.s32 $_size_execute0_lowered;
	s2 =	sadd.s32 s2, s4;
	[dreg:$0x0] =	wrdreg $0x0  }
0xa8: {  	s4 =	sshll.u32 s28, $0x1;
	[dreg:$0x2] =	wrdreg s2  }
0xa9: {  	[dreg:$0x3] =	wrdreg s4  }
0xaa: {  	[dreg:$0x4] =	wrdreg $0xC0  }
0xab: {  	_ =	task [dreg:s6], $0x5FFFF  }
0xac: {  	[dreg:$0x1] =	wrdreg $0xFFFFFFFF  }
0xad: {  	[dreg:$0x0] =	wrdreg $0x60  }
0xae: {  	[dreg:$0x2] =	wrdreg s24  }
0xaf: {  	[dreg:$0x3] =	wrdreg $0x9  }
0xb0: {  	_ =	task.clear_ibuf [dreg:s6], $0x4FFFF;
	_ =	strace $0x90000046  }
0xb1: {  	s29 =	simm.s32 $0x9;
	_ =	strace $0x80000048  }
0xb2: {  	_ =	swait.ge [sflag:s29], $0x1  }
0xb3: {  	[sflag:s29] =	ssyncadd.s32 $0xFFFFFFFF  }
0xb4: {  	_ =	strace $0x90000048  }
0xb5: {  	_ =	sfence  }
0xb6: {  	s30 =	sld [smem:$0x0];
	_ =	sdelay $0x2  }
0xb7: {  	s31 =	sshll.u32 s1, $0xD;
	s1 =	sshrl.u32 s1, $0x2  }
0xb8: {  	s3 =	sand.u32 $0x4000, s31;
	s1 =	sadd.s32 s1, s30  }
0xb9: {  	s0 =	sor.u32 s3, s0;
	s1 =	sshll.u32 s1, $0x11  }
0xba: {  	s0 =	sor.u32 s1, s0  }
0xbb: {  	s0 =	sadd.s32 $0x8F2B, s0  }
0xbc: {  	[sflag:s0] =	ssyncadd.remote.s32 $0x1  }
0xbd: {  	_ =	sfence.sel $0xFFFF  }
0xbe: {  	[dreg:$0x0] =	wrdreg $0xFFFFFFFF;
	(pc) =	sbr.abs _section_cstart, $3  }
0xbf: {  	[dreg:$0x1] =	wrdreg $0xFFFFFFFF  }
0xc0: {  	_ =	task.clear_ibuf [dreg:s6], $0x2FFFF;
	_ =	strace $0x9FFFFFFF  }
0xc1: {  	(tm) =	ssettm $0x7FFFFFFF  }
tec
execute0_lowered:
.L_overlay_start_1:
0x0: {  	(tag) =	ssettag $0x1  }
0x1: {  	s1 =	srdreg.scid;
	s0 =	stileid.u32  }
0x2: {  	s4 =	rddreg [dreg:$0x0];
	s2 =	simm.s32 $0x0;
	s8 =	simm.s32 $0x280  }
0x3: {  	s9 =	simm.s32 $0x1;
	s10 =	simm.s32 $0xA280;
	s11 =	simm.s32 $0x0  }
0x4: {  	s3 =	sand.u32 $0x1, s1;
	s5 =	sshll.u32 s0, $0x1;
	[smem:$0x7FF] =	sst s2  }
0x5: {  	s1 =	rddreg [dreg:$0x1];
	s5 =	sor.u32 s3, s5;
	_ =	strace $0x80000047  }
0x6: {  	s7 =	ssub.s32 $0x2, s3;
	s6 =	smul.u32 $0x50, s5;
	s5 =	sshll.u32 s5, $0x8  }
0x7: {  	s3 =	sadd.s32 $0x1000, s4;
	s31 =	sshrl.u32 s7, $0x1;
	s5 =	sadd.s32 s5, s4  }
0x8: {  	s7 =	ssub.s32 s7, s31;
	s6 =	sadd.s32 s6, s4;
	s5 =	sadd.s32 $0xC4600, s5  }
0x9: {  	s4 =	sadd.s32 $0x600, s6;
	s6 =	smax.u32 s7, $0x1;
	s7 =	simm.s32 $0x2  }
.LBB2_1:
0xa: {  	[tilespmem:s2], [sflag:$0x2] =	stream.linear.gather [hbm4b:s4+s2], $0x280, $0x38;
	[tilespmem:$0xAA80] =	vst v63  }
0xb: {  	_ =	swait.ge [sflag:s7], $0x280  }
0xc: {  	[sflag:s7] =	ssyncset.done $0x0  }
0xd: {  	[sflag:s7] =	ssyncadd.s32 $0xFFFFFD80  }
0xe: {  	[tilespmem:s8], [sflag:$0x1] =	stream.indirect.gather [hbm4b:s3+s8], $0x40, s2, s8, $0xb8;
	[tilespmem:$0xAA80] =	vst v63  }
0xf: {  	_ =	swait.ge [sflag:s9], $0xA000  }
0x10: {  	[sflag:s9] =	ssyncset.done $0x0  }
0x11: {  	s12 =	simm.s32 $0x500;
	[sflag:s9] =	ssyncadd.s32 $0xFFFF6000  }
0x12: {  	v0 =	vld [tilespmem:s12+$0xFFFFFDC0]  }
0x13: {  	v1 =	vld [tilespmem:s12+$0xFFFFFD80];
	_ =	sdelay $0x1  }
0x14: {  	v2 =	vld [tilespmem:s12+$0xFFFFFE00];
	_ =	sdelay $0x1  }
0x15: {  	v3 =	vld [tilespmem:s12+$0xFFFFFE40]  }
0x16: {  	v0 =	vadd.f32 v0, v1  }
0x17: {  	v1 =	vld [tilespmem:s12+$0xFFFFFE80]  }
0x18: {  	v0 =	vadd.f32 v2, v0  }
0x19: {  	v2 =	vld [tilespmem:s12+$0xFFFFFEC0]  }
0x1a: {  	v0 =	vadd.f32 v3, v0  }
0x1b: {  	v3 =	vld [tilespmem:s12+$0xFFFFFF00]  }
0x1c: {  	v0 =	vadd.f32 v1, v0  }
0x1d: {  	v1 =	vld [tilespmem:s12+$0xFFFFFF40]  }
0x1e: {  	v0 =	vadd.f32 v2, v0  }
0x1f: {  	v2 =	vld [tilespmem:s12+$0xFFFFFF80]  }
0x20: {  	v0 =	vadd.f32 v3, v0  }
0x21: {  	v3 =	vld [tilespmem:s12+$0xFFFFFFC0]  }
0x22: {  	v0 =	vadd.f32 v1, v0  }
0x23: {  	v1 =	vld [tilespmem:s12+$0x0]  }
0x24: {  	v0 =	vadd.f32 v2, v0  }
0x25: {  	v2 =	vld [tilespmem:s12+$0x40]  }
0x26: {  	v0 =	vadd.f32 v3, v0  }
0x27: {  	v3 =	vld [tilespmem:s12+$0x80]  }
0x28: {  	v0 =	vadd.f32 v1, v0  }
0x29: {  	v1 =	vld [tilespmem:s12+$0xC0]  }
0x2a: {  	v0 =	vadd.f32 v2, v0  }
0x2b: {  	v2 =	vld [tilespmem:s12+$0x100]  }
0x2c: {  	v0 =	vadd.f32 v3, v0  }
0x2d: {  	v3 =	vld [tilespmem:s12+$0x140]  }
0x2e: {  	v0 =	vadd.f32 v1, v0  }
0x2f: {  	v1 =	vld [tilespmem:s12+$0x180]  }
0x30: {  	v0 =	vadd.f32 v2, v0  }
0x31: {  	v2 =	vld [tilespmem:s12+$0x1C0]  }
0x32: {  	v0 =	vadd.f32 v3, v0  }
0x33: {  	v3 =	vld [tilespmem:s12+$0x200]  }
0x34: {  	v0 =	vadd.f32 v1, v0  }
0x35: {  	v1 =	vld [tilespmem:s12+$0x240]  }
0x36: {  	v0 =	vadd.f32 v2, v0;
	_ =	sdelay $0x1  }
0x37: {  	v0 =	vadd.f32 v3, v0;
	_ =	sdelay $0x1  }
0x38: {  	v0 =	vadd.f32 v1, v0;
	_ =	sdelay $0x1  }
0x39: {  	v0 =	vmul.f32 $5.000000070e-02, v0  }
0x3a: {  	s13 =	simm.s32 $0x0  }
0x3b: {  	[tilespmem:s13+$0xA280] =	vst v0  }
0x3c: {  	v0 =	vld [tilespmem:s12+$0xFFFFFD90]  }
0x3d: {  	v1 =	vld [tilespmem:s12+$0xFFFFFDD0];
	_ =	sdelay $0x1  }
0x3e: {  	v2 =	vld [tilespmem:s12+$0xFFFFFE10];
	_ =	sdelay $0x1  }
0x3f: {  	v3 =	vld [tilespmem:s12+$0xFFFFFE50]  }
0x40: {  	v0 =	vadd.f32 v1, v0  }
0x41: {  	v1 =	vld [tilespmem:s12+$0xFFFFFE90]  }
0x42: {  	v0 =	vadd.f32 v2, v0  }
0x43: {  	v2 =	vld [tilespmem:s12+$0xFFFFFED0]  }
0x44: {  	v0 =	vadd.f32 v3, v0  }
0x45: {  	v3 =	vld [tilespmem:s12+$0xFFFFFF10]  }
0x46: {  	v0 =	vadd.f32 v1, v0  }
0x47: {  	v1 =	vld [tilespmem:s12+$0xFFFFFF50]  }
0x48: {  	v0 =	vadd.f32 v2, v0  }
0x49: {  	v2 =	vld [tilespmem:s12+$0xFFFFFF90]  }
0x4a: {  	v0 =	vadd.f32 v3, v0  }
0x4b: {  	v3 =	vld [tilespmem:s12+$0xFFFFFFD0]  }
0x4c: {  	v0 =	vadd.f32 v1, v0  }
0x4d: {  	v1 =	vld [tilespmem:s12+$0x10]  }
0x4e: {  	v0 =	vadd.f32 v2, v0  }
0x4f: {  	v2 =	vld [tilespmem:s12+$0x50]  }
0x50: {  	v0 =	vadd.f32 v3, v0  }
0x51: {  	v3 =	vld [tilespmem:s12+$0x90]  }
0x52: {  	v0 =	vadd.f32 v1, v0  }
0x53: {  	v1 =	vld [tilespmem:s12+$0xD0]  }
0x54: {  	v0 =	vadd.f32 v2, v0  }
0x55: {  	v2 =	vld [tilespmem:s12+$0x110]  }
0x56: {  	v0 =	vadd.f32 v3, v0  }
0x57: {  	v3 =	vld [tilespmem:s12+$0x150]  }
0x58: {  	v0 =	vadd.f32 v1, v0  }
0x59: {  	v1 =	vld [tilespmem:s12+$0x190]  }
0x5a: {  	v0 =	vadd.f32 v2, v0  }
0x5b: {  	v2 =	vld [tilespmem:s12+$0x1D0]  }
0x5c: {  	v0 =	vadd.f32 v3, v0  }
0x5d: {  	v3 =	vld [tilespmem:s12+$0x210]  }
0x5e: {  	v0 =	vadd.f32 v1, v0  }
0x5f: {  	v1 =	vld [tilespmem:s12+$0x250]  }
0x60: {  	v0 =	vadd.f32 v2, v0;
	_ =	sdelay $0x1  }
0x61: {  	v0 =	vadd.f32 v3, v0;
	_ =	sdelay $0x1  }
0x62: {  	v0 =	vadd.f32 v1, v0;
	_ =	sdelay $0x1  }
0x63: {  	v0 =	vmul.f32 $5.000000070e-02, v0;
	_ =	sdelay $0x1  }
0x64: {  	[tilespmem:s13+$0xA290] =	vst v0  }
0x65: {  	v0 =	vld [tilespmem:s12+$0xFFFFFDA0]  }
0x66: {  	v1 =	vld [tilespmem:s12+$0xFFFFFDE0];
	_ =	sdelay $0x1  }
0x67: {  	v2 =	vld [tilespmem:s12+$0xFFFFFE20];
	_ =	sdelay $0x1  }
0x68: {  	v3 =	vld [tilespmem:s12+$0xFFFFFE60]  }
0x69: {  	v0 =	vadd.f32 v1, v0  }
0x6a: {  	v1 =	vld [tilespmem:s12+$0xFFFFFEA0]  }
0x6b: {  	v0 =	vadd.f32 v2, v0  }
0x6c: {  	v2 =	vld [tilespmem:s12+$0xFFFFFEE0]  }
0x6d: {  	v0 =	vadd.f32 v3, v0  }
0x6e: {  	v3 =	vld [tilespmem:s12+$0xFFFFFF20]  }
0x6f: {  	v0 =	vadd.f32 v1, v0  }
0x70: {  	v1 =	vld [tilespmem:s12+$0xFFFFFF60]  }
0x71: {  	v0 =	vadd.f32 v2, v0  }
0x72: {  	v2 =	vld [tilespmem:s12+$0xFFFFFFA0]  }
0x73: {  	v0 =	vadd.f32 v3, v0  }
0x74: {  	v3 =	vld [tilespmem:s12+$0xFFFFFFE0]  }
0x75: {  	v0 =	vadd.f32 v1, v0  }
0x76: {  	v1 =	vld [tilespmem:s12+$0x20]  }
0x77: {  	v0 =	vadd.f32 v2, v0  }
0x78: {  	v2 =	vld [tilespmem:s12+$0x60]  }
0x79: {  	v0 =	vadd.f32 v3, v0  }
0x7a: {  	v3 =	vld [tilespmem:s12+$0xA0]  }
0x7b: {  	v0 =	vadd.f32 v1, v0  }
0x7c: {  	v1 =	vld [tilespmem:s12+$0xE0]  }
0x7d: {  	v0 =	vadd.f32 v2, v0  }
0x7e: {  	v2 =	vld [tilespmem:s12+$0x120]  }
0x7f: {  	v0 =	vadd.f32 v3, v0  }
0x80: {  	v3 =	vld [tilespmem:s12+$0x160]  }
0x81: {  	v0 =	vadd.f32 v1, v0  }
0x82: {  	v1 =	vld [tilespmem:s12+$0x1A0]  }
0x83: {  	v0 =	vadd.f32 v2, v0  }
0x84: {  	v2 =	vld [tilespmem:s12+$0x1E0]  }
0x85: {  	v0 =	vadd.f32 v3, v0  }
0x86: {  	v3 =	vld [tilespmem:s12+$0x220]  }
0x87: {  	v0 =	vadd.f32 v1, v0  }
0x88: {  	v1 =	vld [tilespmem:s12+$0x260]  }
0x89: {  	v0 =	vadd.f32 v2, v0;
	_ =	sdelay $0x1  }
0x8a: {  	v0 =	vadd.f32 v3, v0;
	_ =	sdelay $0x1  }
0x8b: {  	v0 =	vadd.f32 v1, v0;
	_ =	sdelay $0x1  }
0x8c: {  	v0 =	vmul.f32 $5.000000070e-02, v0;
	_ =	sdelay $0x1  }
0x8d: {  	[tilespmem:s13+$0xA2A0] =	vst v0  }
0x8e: {  	v0 =	vld [tilespmem:s12+$0xFFFFFDB0]  }
0x8f: {  	v1 =	vld [tilespmem:s12+$0xFFFFFDF0];
	_ =	sdelay $0x1  }
0x90: {  	v2 =	vld [tilespmem:s12+$0xFFFFFE30];
	_ =	sdelay $0x1  }
0x91: {  	v3 =	vld [tilespmem:s12+$0xFFFFFE70]  }
0x92: {  	v0 =	vadd.f32 v1, v0  }
0x93: {  	v1 =	vld [tilespmem:s12+$0xFFFFFEB0]  }
0x94: {  	v0 =	vadd.f32 v2, v0  }
0x95: {  	v2 =	vld [tilespmem:s12+$0xFFFFFEF0]  }
0x96: {  	v0 =	vadd.f32 v3, v0  }
0x97: {  	v3 =	vld [tilespmem:s12+$0xFFFFFF30]  }
0x98: {  	v0 =	vadd.f32 v1, v0  }
0x99: {  	v1 =	vld [tilespmem:s12+$0xFFFFFF70]  }
0x9a: {  	v0 =	vadd.f32 v2, v0  }
0x9b: {  	v2 =	vld [tilespmem:s12+$0xFFFFFFB0]  }
0x9c: {  	v0 =	vadd.f32 v3, v0  }
0x9d: {  	v3 =	vld [tilespmem:s12+$0xFFFFFFF0]  }
0x9e: {  	v0 =	vadd.f32 v1, v0  }
0x9f: {  	v1 =	vld [tilespmem:s12+$0x30]  }
0xa0: {  	v0 =	vadd.f32 v2, v0  }
0xa1: {  	v2 =	vld [tilespmem:s12+$0x70]  }
0xa2: {  	v0 =	vadd.f32 v3, v0  }
0xa3: {  	v3 =	vld [tilespmem:s12+$0xB0]  }
0xa4: {  	v0 =	vadd.f32 v1, v0  }
0xa5: {  	v1 =	vld [tilespmem:s12+$0xF0]  }
0xa6: {  	v0 =	vadd.f32 v2, v0  }
0xa7: {  	v2 =	vld [tilespmem:s12+$0x130]  }
0xa8: {  	v0 =	vadd.f32 v3, v0  }
0xa9: {  	v3 =	vld [tilespmem:s12+$0x170]  }
0xaa: {  	v0 =	vadd.f32 v1, v0  }
0xab: {  	v1 =	vld [tilespmem:s12+$0x1B0]  }
0xac: {  	v0 =	vadd.f32 v2, v0  }
0xad: {  	v2 =	vld [tilespmem:s12+$0x1F0]  }
0xae: {  	v0 =	vadd.f32 v3, v0;
	_ =	sdelay $0x1  }
0xaf: {  	v3 =	vld [tilespmem:s12+$0x230];
	v0 =	vadd.f32 v1, v0;
	_ =	sdelay $0x1  }
0xb0: {  	v1 =	vadd.f32 v2, v0;
	v0 =	vld [tilespmem:s12+$0x270];
	_ =	sdelay $0x2  }
0xb1: {  	s14 =	simm.s32 $0x100;
	v1 =	vadd.f32 v3, v1  }
.LBB2_2:
0xb2: {  	p0 =	sne.s32 s14, $0x1F00  }
0xb3: {  	s12 =	sadd.s32 $0x500, s12;
	s15 =	smov.u32 s14;
	s14 =	sadd.s32 $0x100, s14;
	v0 =	vadd.f32 v0, v1  }
0xb4: {  	_ = 	snop  }
0xb5: {  	v0 =	vmul.f32 $5.000000070e-02, v0;
	_ =	sdelay $0x1  }
0xb6: {  	[tilespmem:s13+$0xA2B0] =	vst v0  }
0xb7: {  	v0 =	vld [tilespmem:s12+$0xFFFFFDC0]  }
0xb8: {  	v1 =	vld [tilespmem:s12+$0xFFFFFD80];
	_ =	sdelay $0x1  }
0xb9: {  	v2 =	vld [tilespmem:s12+$0xFFFFFE00];
	_ =	sdelay $0x1  }
0xba: {  	v3 =	vld [tilespmem:s12+$0xFFFFFE40]  }
0xbb: {  	v0 =	vadd.f32 v0, v1  }
0xbc: {  	v1 =	vld [tilespmem:s12+$0xFFFFFE80]  }
0xbd: {  	v0 =	vadd.f32 v2, v0  }
0xbe: {  	v2 =	vld [tilespmem:s12+$0xFFFFFEC0]  }
0xbf: {  	v0 =	vadd.f32 v3, v0  }
0xc0: {  	v3 =	vld [tilespmem:s12+$0xFFFFFF00]  }
0xc1: {  	v0 =	vadd.f32 v1, v0  }
0xc2: {  	v1 =	vld [tilespmem:s12+$0xFFFFFF40]  }
0xc3: {  	v0 =	vadd.f32 v2, v0  }
0xc4: {  	v2 =	vld [tilespmem:s12+$0xFFFFFF80]  }
0xc5: {  	v0 =	vadd.f32 v3, v0  }
0xc6: {  	v3 =	vld [tilespmem:s12+$0xFFFFFFC0]  }
0xc7: {  	v0 =	vadd.f32 v1, v0  }
0xc8: {  	v1 =	vld [tilespmem:s12+$0x0]  }
0xc9: {  	v0 =	vadd.f32 v2, v0  }
0xca: {  	v2 =	vld [tilespmem:s12+$0x40]  }
0xcb: {  	v0 =	vadd.f32 v3, v0  }
0xcc: {  	v3 =	vld [tilespmem:s12+$0x80]  }
0xcd: {  	v0 =	vadd.f32 v1, v0  }
0xce: {  	v1 =	vld [tilespmem:s12+$0xC0]  }
0xcf: {  	v0 =	vadd.f32 v2, v0  }
0xd0: {  	v2 =	vld [tilespmem:s12+$0x100]  }
0xd1: {  	v0 =	vadd.f32 v3, v0  }
0xd2: {  	v3 =	vld [tilespmem:s12+$0x140]  }
0xd3: {  	v0 =	vadd.f32 v1, v0  }
0xd4: {  	v1 =	vld [tilespmem:s12+$0x180]  }
0xd5: {  	v0 =	vadd.f32 v2, v0  }
0xd6: {  	v2 =	vld [tilespmem:s12+$0x1C0]  }
0xd7: {  	v0 =	vadd.f32 v3, v0  }
0xd8: {  	v3 =	vld [tilespmem:s12+$0x200]  }
0xd9: {  	v0 =	vadd.f32 v1, v0  }
0xda: {  	v1 =	vld [tilespmem:s12+$0x240]  }
0xdb: {  	v0 =	vadd.f32 v2, v0;
	_ =	sdelay $0x1  }
0xdc: {  	v0 =	vadd.f32 v3, v0;
	_ =	sdelay $0x1  }
0xdd: {  	v0 =	vadd.f32 v1, v0;
	_ =	sdelay $0x1  }
0xde: {  	v0 =	vmul.f32 $5.000000070e-02, v0  }
0xdf: {  	s13 =	sshra.s32 s15, $0x2  }
0xe0: {  	[tilespmem:s13+$0xA280] =	vst v0  }
0xe1: {  	v0 =	vld [tilespmem:s12+$0xFFFFFD90]  }
0xe2: {  	v1 =	vld [tilespmem:s12+$0xFFFFFDD0];
	_ =	sdelay $0x1  }
0xe3: {  	v2 =	vld [tilespmem:s12+$0xFFFFFE10];
	_ =	sdelay $0x1  }
0xe4: {  	v3 =	vld [tilespmem:s12+$0xFFFFFE50]  }
0xe5: {  	v0 =	vadd.f32 v1, v0  }
0xe6: {  	v1 =	vld [tilespmem:s12+$0xFFFFFE90]  }
0xe7: {  	v0 =	vadd.f32 v2, v0  }
0xe8: {  	v2 =	vld [tilespmem:s12+$0xFFFFFED0]  }
0xe9: {  	v0 =	vadd.f32 v3, v0  }
0xea: {  	v3 =	vld [tilespmem:s12+$0xFFFFFF10]  }
0xeb: {  	v0 =	vadd.f32 v1, v0  }
0xec: {  	v1 =	vld [tilespmem:s12+$0xFFFFFF50]  }
0xed: {  	v0 =	vadd.f32 v2, v0  }
0xee: {  	v2 =	vld [tilespmem:s12+$0xFFFFFF90]  }
0xef: {  	v0 =	vadd.f32 v3, v0  }
0xf0: {  	v3 =	vld [tilespmem:s12+$0xFFFFFFD0]  }
0xf1: {  	v0 =	vadd.f32 v1, v0  }
0xf2: {  	v1 =	vld [tilespmem:s12+$0x10]  }
0xf3: {  	v0 =	vadd.f32 v2, v0  }
0xf4: {  	v2 =	vld [tilespmem:s12+$0x50]  }
0xf5: {  	v0 =	vadd.f32 v3, v0  }
0xf6: {  	v3 =	vld [tilespmem:s12+$0x90]  }
0xf7: {  	v0 =	vadd.f32 v1, v0  }
0xf8: {  	v1 =	vld [tilespmem:s12+$0xD0]  }
0xf9: {  	v0 =	vadd.f32 v2, v0  }
0xfa: {  	v2 =	vld [tilespmem:s12+$0x110]  }
0xfb: {  	v0 =	vadd.f32 v3, v0  }
0xfc: {  	v3 =	vld [tilespmem:s12+$0x150]  }
0xfd: {  	v0 =	vadd.f32 v1, v0  }
0xfe: {  	v1 =	vld [tilespmem:s12+$0x190]  }
0xff: {  	v0 =	vadd.f32 v2, v0  }
0x100: {  	v2 =	vld [tilespmem:s12+$0x1D0]  }
0x101: {  	v0 =	vadd.f32 v3, v0  }
0x102: {  	v3 =	vld [tilespmem:s12+$0x210]  }
0x103: {  	v0 =	vadd.f32 v1, v0  }
0x104: {  	v1 =	vld [tilespmem:s12+$0x250]  }
0x105: {  	v0 =	vadd.f32 v2, v0;
	_ =	sdelay $0x1  }
0x106: {  	v0 =	vadd.f32 v3, v0;
	_ =	sdelay $0x1  }
0x107: {  	v0 =	vadd.f32 v1, v0;
	_ =	sdelay $0x1  }
0x108: {  	v0 =	vmul.f32 $5.000000070e-02, v0;
	_ =	sdelay $0x1  }
0x109: {  	[tilespmem:s13+$0xA290] =	vst v0  }
0x10a: {  	v0 =	vld [tilespmem:s12+$0xFFFFFDA0]  }
0x10b: {  	v1 =	vld [tilespmem:s12+$0xFFFFFDE0];
	_ =	sdelay $0x1  }
0x10c: {  	v2 =	vld [tilespmem:s12+$0xFFFFFE20];
	_ =	sdelay $0x1  }
0x10d: {  	v3 =	vld [tilespmem:s12+$0xFFFFFE60]  }
0x10e: {  	v0 =	vadd.f32 v1, v0  }
0x10f: {  	v1 =	vld [tilespmem:s12+$0xFFFFFEA0]  }
0x110: {  	v0 =	vadd.f32 v2, v0  }
0x111: {  	v2 =	vld [tilespmem:s12+$0xFFFFFEE0]  }
0x112: {  	v0 =	vadd.f32 v3, v0  }
0x113: {  	v3 =	vld [tilespmem:s12+$0xFFFFFF20]  }
0x114: {  	v0 =	vadd.f32 v1, v0  }
0x115: {  	v1 =	vld [tilespmem:s12+$0xFFFFFF60]  }
0x116: {  	v0 =	vadd.f32 v2, v0  }
0x117: {  	v2 =	vld [tilespmem:s12+$0xFFFFFFA0]  }
0x118: {  	v0 =	vadd.f32 v3, v0  }
0x119: {  	v3 =	vld [tilespmem:s12+$0xFFFFFFE0]  }
0x11a: {  	v0 =	vadd.f32 v1, v0  }
0x11b: {  	v1 =	vld [tilespmem:s12+$0x20]  }
0x11c: {  	v0 =	vadd.f32 v2, v0  }
0x11d: {  	v2 =	vld [tilespmem:s12+$0x60]  }
0x11e: {  	v0 =	vadd.f32 v3, v0  }
0x11f: {  	v3 =	vld [tilespmem:s12+$0xA0]  }
0x120: {  	v0 =	vadd.f32 v1, v0  }
0x121: {  	v1 =	vld [tilespmem:s12+$0xE0]  }
0x122: {  	v0 =	vadd.f32 v2, v0  }
0x123: {  	v2 =	vld [tilespmem:s12+$0x120]  }
0x124: {  	v0 =	vadd.f32 v3, v0  }
0x125: {  	v3 =	vld [tilespmem:s12+$0x160]  }
0x126: {  	v0 =	vadd.f32 v1, v0  }
0x127: {  	v1 =	vld [tilespmem:s12+$0x1A0]  }
0x128: {  	v0 =	vadd.f32 v2, v0  }
0x129: {  	v2 =	vld [tilespmem:s12+$0x1E0]  }
0x12a: {  	v0 =	vadd.f32 v3, v0  }
0x12b: {  	v3 =	vld [tilespmem:s12+$0x220]  }
0x12c: {  	v0 =	vadd.f32 v1, v0  }
0x12d: {  	v1 =	vld [tilespmem:s12+$0x260]  }
0x12e: {  	v0 =	vadd.f32 v2, v0;
	_ =	sdelay $0x1  }
0x12f: {  	v0 =	vadd.f32 v3, v0;
	_ =	sdelay $0x1  }
0x130: {  	v0 =	vadd.f32 v1, v0;
	_ =	sdelay $0x1  }
0x131: {  	v0 =	vmul.f32 $5.000000070e-02, v0;
	_ =	sdelay $0x1  }
0x132: {  	[tilespmem:s13+$0xA2A0] =	vst v0  }
0x133: {  	v0 =	vld [tilespmem:s12+$0xFFFFFDB0]  }
0x134: {  	v1 =	vld [tilespmem:s12+$0xFFFFFDF0]  }
0x135: {  	v2 =	vld [tilespmem:s12+$0xFFFFFE30]  }
0x136: {  	v3 =	vld [tilespmem:s12+$0xFFFFFE70]  }
0x137: {  	v4 =	vld [tilespmem:s12+$0xFFFFFEB0]  }
0x138: {  	v5 =	vld [tilespmem:s12+$0xFFFFFEF0]  }
0x139: {  	v0 =	vadd.f32 v1, v0;
	v1 =	vld [tilespmem:s12+$0xFFFFFF30]  }
0x13a: {  	v6 =	vld [tilespmem:s12+$0xFFFFFF70]  }
0x13b: {  	v0 =	vadd.f32 v2, v0;
	v2 =	vld [tilespmem:s12+$0xFFFFFFB0]  }
0x13c: {  	v7 =	vld [tilespmem:s12+$0xFFFFFFF0]  }
0x13d: {  	v0 =	vadd.f32 v3, v0;
	v3 =	vld [tilespmem:s12+$0x30]  }
0x13e: {  	v8 =	vld [tilespmem:s12+$0x70]  }
0x13f: {  	v0 =	vadd.f32 v4, v0;
	v4 =	vld [tilespmem:s12+$0xB0]  }
0x140: {  	v9 =	vld [tilespmem:s12+$0xF0]  }
0x141: {  	v0 =	vadd.f32 v5, v0;
	v5 =	vld [tilespmem:s12+$0x130]  }
0x142: {  	v10 =	vld [tilespmem:s12+$0x170]  }
0x143: {  	v0 =	vadd.f32 v1, v0;
	v1 =	vld [tilespmem:s12+$0x1B0]  }
0x144: {  	v11 =	vld [tilespmem:s12+$0x1F0]  }
0x145: {  	v6 =	vadd.f32 v6, v0;
	v12 =	vld [tilespmem:s12+$0x230]  }
0x146: {  	v0 =	vld [tilespmem:s12+$0x270]  }
0x147: {  	v2 =	vadd.f32 v2, v6;
	_ =	sdelay $0x1  }
0x148: {  	v2 =	vadd.f32 v7, v2;
	_ =	sdelay $0x1  }
0x149: {  	v2 =	vadd.f32 v3, v2;
	_ =	sdelay $0x1  }
0x14a: {  	v2 =	vadd.f32 v8, v2;
	_ =	sdelay $0x1  }
0x14b: {  	v2 =	vadd.f32 v4, v2;
	_ =	sdelay $0x1  }
0x14c: {  	v2 =	vadd.f32 v9, v2;
	_ =	sdelay $0x1  }
0x14d: {  	v2 =	vadd.f32 v5, v2;
	_ =	sdelay $0x1  }
0x14e: {  	v2 =	vadd.f32 v10, v2;
	_ =	sdelay $0x1  }
.Ltmp0:
0x14f: {  	v1 =	vadd.f32 v1, v2;
	(pc) =	sbr.rel @p0 .LBB2_2-.Ltmp0, $3  }
0x150: {  	_ = 	snop  }
0x151: {  	v1 =	vadd.f32 v11, v1;
	_ =	sdelay $0x1  }
0x152: {  	v1 =	vadd.f32 v12, v1  }
0x153: {  	_ = 	snop  }
0x154: {  	v0 =	vadd.f32 v0, v1;
	_ =	sdelay $0x1  }
0x155: {  	s11 =	sadd.s32 $0x1, s11;
	v0 =	vmul.f32 $5.000000070e-02, v0  }
0x156: {  	p0 =	sne.s32 s11, s6  }
.Ltmp1:
0x157: {  	[tilespmem:s13+$0xA2B0] =	vst v0;
	(pc) =	sbr.rel @p0 .LBB2_1-.Ltmp1, $4  }
0x158: {  	[hbm4b:s5+s2] =	stream.linear.scatter [tilespmem:s10], [sflag:$0x2], $0x800, $0x38;
	[tilespmem:$0xAA80] =	vst v63  }
0x159: {  	_ =	swait.ge [sflag:s7], $0x800  }
0x15a: {  	[sflag:s7] =	ssyncset.done $0x0  }
0x15b: {  	[sflag:s7] =	ssyncadd.s32 $0xFFFFF800  }
0x15c: {  	_ =	sfence.sel $0x180000  }
0x15d: {  	[bflag:$0x0] =	sbarrier.arrive $0xFFFF  }
0x15e: {  	p0 =	sne.s32 s0, $0x0;
	_ =	strace $0x90000047  }
0x15f: {  	s0 =	sadd.s32 @!p0 $0x100000, s1;
	[bflag:$0x2] =	sbarrier.arrive $0xFFFF  }
0x160: {  	[sflag:s0] =	ssyncadd.tile.s32 @!p0 $0x1;
	_ =	shalt  }
.Lfunc_end2:
_tile_overlayer_lowered:
.L_overlay_start_2:
0x161: {  	(tag) =	ssettag $0x2  }
0x162: {  	s0 =	rddreg [dreg:$0x0];
	s2 =	stileid.u32  }
0x163: {  	s1 =	rddreg [dreg:$0x1];
	p0 =	sne.s32 s2, $0x0  }
0x164: {  	s3 =	rddreg [dreg:$0x2];
	[bflag:$0x3] =	sbarrier.arrive $0xFFFF;
	s2 =	simm.s32 @!p0 $0x1C02  }
0x165: {  	[timem:s3], [sflag:s2] =	dma.local @!p0 [hbm:s0], s1  }
0x166: {  	s0 =	simm.s32 @!p0 $0x2  }
0x167: {  	_ =	swait.ge @!p0 [sflag:s0], s1  }
0x168: {  	s1 =	ssub.s32 @!p0 $0x0, s1;
	[sflag:s0] =	ssyncset.done @!p0 $0x0  }
0x169: {  	[sflag:s0] =	ssyncadd.s32 @!p0 s1  }
0x16a: {  	[bflag:$0x3] =	sbarrier.arrive $0xFFFF  }
0x16b: {  	_ =	shalt  }

</sc_bundles>
